<compile_context>
chip_gen: v7x
topology: tpu7x:2x2x1
jax: 0.10.2.dev20260603
libtpu: 0.0.44.dev20260713+nightly
codegen_flags: <defaults>
</compile_context>

<pallas_src>
import functools

import jax
import jax.numpy as jnp
from jax import lax
from jax.experimental import pallas as pl
from jax.experimental.pallas import tpu as pltpu
from jax.experimental.pallas import tpu_sc as plsc

BUCKETS_C = 1000000
HASH_DIM_C = 32
MODEL_DIM_C = 128


def _hash_body(ids_ref, prev_ref, out_ref):
    a = ids_ref[...].astype(jnp.uint32)
    p = prev_ref[...].astype(jnp.uint32)
    m = jnp.uint32(BUCKETS_C)
    t1 = (a % m) * jnp.uint32(8000) % m
    t2 = (a % m) * jnp.uint32(191) % m
    h = ((t1 + t2) % m + p % m) % m
    out_ref[...] = h.astype(jnp.int32)


def _hash_tc(ids2d, prev2d):
    return pl.pallas_call(
        _hash_body,
        out_shape=jax.ShapeDtypeStruct(ids2d.shape, jnp.int32),
    )(ids2d, prev2d)


_TR_BN = 2048


def _tr_body(tt_ref, out_ref):
    xt = jnp.transpose(tt_ref[...])
    xt3 = xt.reshape(_TR_BN // 4, 4, 32)
    for j in range(4):
        out_ref[:, 32 * j:32 * (j + 1)] = xt3[:, j, :]


def _transpose_tc(tt):
    v = tt.shape[1]
    return pl.pallas_call(
        _tr_body,
        grid=((v + _TR_BN - 1) // _TR_BN,),
        in_specs=[pl.BlockSpec((HASH_DIM_C, _TR_BN), lambda i: (0, i))],
        out_specs=pl.BlockSpec((_TR_BN // 4, 128), lambda i: (i, 0)),
        out_shape=jax.ShapeDtypeStruct((v // 4, 128), jnp.float32),
    )(tt)


def _gather_sc(hashed, table):
    n = hashed.shape[0]
    d = table.shape[1]
    info = plsc.get_sparse_core_info()
    nc, ns = info.num_cores, info.num_subcores
    nw = nc * ns
    per_w = n // nw
    out_ch = 1280
    n_outer = per_w // out_ch
    ng = out_ch // 128

    mesh = plsc.VectorSubcoreMesh(core_axis_name="c", subcore_axis_name="s")

    @functools.partial(
        pl.kernel,
        out_type=jax.ShapeDtypeStruct((n, d), jnp.float32),
        mesh=mesh,
        scratch_types=[
            pltpu.VMEM((out_ch,), jnp.int32),
            pltpu.VMEM((out_ch, d), jnp.float32),
            pltpu.SemaphoreType.DMA,
        ],
        compiler_params=pltpu.CompilerParams(use_tc_tiling_on_sc=False),
    )
    def k(hashed_hbm, table_hbm, out_hbm, idx_v, rows_v, sem):
        wid = lax.axis_index("s") * nc + lax.axis_index("c")
        base = wid * per_w

        def body(c, carry):
            off = base + c * out_ch
            pltpu.sync_copy(hashed_hbm.at[pl.ds(off, out_ch)], idx_v)
            cps = [
                pltpu.async_copy(
                    table_hbm.at[idx_v.at[pl.ds(j * 128, 128)]],
                    rows_v.at[pl.ds(j * 128, 128), :],
                    sem,
                )
                for j in range(ng)
            ]
            for cp in cps:
                cp.wait()
            pltpu.sync_copy(rows_v, out_hbm.at[pl.ds(off, out_ch)])
            return carry

        lax.fori_loop(0, n_outer, body, 0)

    return k(hashed, table)


_MM_BM = 4096


def _mm_body(emb4_ref, wbig_ref, b_ref, out_ref):
    acc = jnp.dot(emb4_ref[...], wbig_ref[...], preferred_element_type=jnp.float32)
    acc = acc + b_ref[...]
    out_ref[...] = acc.reshape(4 * _MM_BM, MODEL_DIM_C)


def _mm_first(emb4, wbig, b4, n_total):
    n4 = emb4.shape[0]
    return pl.pallas_call(
        _mm_body,
        grid=(n4 // _MM_BM,),
        in_specs=[
            pl.BlockSpec((_MM_BM, 128), lambda i: (i, 0)),
            pl.BlockSpec((128, 4 * MODEL_DIM_C), lambda i: (0, 0)),
            pl.BlockSpec((1, 4 * MODEL_DIM_C), lambda i: (0, 0)),
        ],
        out_specs=pl.BlockSpec((4 * _MM_BM, MODEL_DIM_C), lambda i: (i, 0)),
        out_shape=jax.ShapeDtypeStruct((n_total, MODEL_DIM_C), jnp.float32),
    )(emb4, wbig, b4)


def _mm_second_body(emb4_ref, wbig_ref, b_ref, _partial_ref, out_ref):
    _mm_body(emb4_ref, wbig_ref, b_ref, out_ref)


def _mm_second(emb4, wbig, b4, partial, half_blocks):
    n4 = emb4.shape[0]
    n_total = partial.shape[0]
    return pl.pallas_call(
        _mm_second_body,
        grid=(n4 // _MM_BM,),
        in_specs=[
            pl.BlockSpec((_MM_BM, 128), lambda i: (i, 0)),
            pl.BlockSpec((128, 4 * MODEL_DIM_C), lambda i: (0, 0)),
            pl.BlockSpec((1, 4 * MODEL_DIM_C), lambda i: (0, 0)),
            pl.BlockSpec(memory_space=pl.ANY),
        ],
        out_specs=pl.BlockSpec(
            (4 * _MM_BM, MODEL_DIM_C), lambda i: (i + half_blocks, 0)
        ),
        out_shape=jax.ShapeDtypeStruct((n_total, MODEL_DIM_C), jnp.float32),
        input_output_aliases={3: 0},
    )(emb4, wbig, b4, partial)


def kernel(input_ids, table, W, b):
    bsz, seq = input_ids.shape
    n = bsz * seq
    half = n // 2
    ids_flat = input_ids.reshape(n)
    prev_flat = jnp.pad(input_ids[:, :-1], ((0, 0), (1, 0))).reshape(n)

    table_lin = _transpose_tc(table.T).reshape(table.shape)

    hashed = _hash_tc(
        ids_flat.reshape(n // 128, 128), prev_flat.reshape(n // 128, 128)
    ).reshape(n)

    emb_a = _gather_sc(hashed[:half], table_lin)
    emb_b = _gather_sc(hashed[half:], table_lin)

    wbig = jnp.kron(jnp.eye(4, dtype=W.dtype), W.T)
    b4 = jnp.tile(b, 4).reshape(1, 4 * MODEL_DIM_C)

    out = _mm_first(emb_a.reshape(half // 4, 4 * HASH_DIM_C), wbig, b4, n)
    out = _mm_second(
        emb_b.reshape(half // 4, 4 * HASH_DIM_C), wbig, b4, out,
        half // (4 * _MM_BM),
    )
    return out.reshape(bsz, seq, MODEL_DIM_C)

# --- scband reference (transcript-rebuilt; emitter-appended) ---
"""Pipeline reference for scband-bigram-hash-70385924046989 (READ-ONLY COPY).

The authoritative reference and input builder live on the scoring server;
editing this copy changes nothing except your own understanding.
"""

import jax, jax.numpy as jnp
import numpy as np

BUCKETS = 1000000
HASH_DIM = 32
MODEL_DIM = 128
B, L = 4096, 200

def setup_inputs(seed: int = 0) -> dict:
    key = jax.random.key(seed)
    k1, k2, k3, k4 = jax.random.split(key, 4)
    input_ids = jax.random.randint(k1, (B, L), 0, BUCKETS, dtype=jnp.int64) if jax.config.jax_enable_x64 else jax.random.randint(k1, (B, L), 0, BUCKETS, dtype=jnp.int32).astype(jnp.int32)
    table = jax.random.normal(k2, (BUCKETS, HASH_DIM), dtype=jnp.float32)
    # torch Linear: weight [model_dim, hash_dim], bias [model_dim]
    bound = 1.0 / np.sqrt(HASH_DIM)
    W = jax.random.uniform(k3, (MODEL_DIM, HASH_DIM), minval=-bound, maxval=bound, dtype=jnp.float32)
    b = jax.random.uniform(k4, (MODEL_DIM,), minval=-bound, maxval=bound, dtype=jnp.float32)
    return {"input_ids": input_ids, "table": table, "W": W, "b": b}

def reference(input_ids, table, W, b):
    ids = input_ids.astype(jnp.int64) if jax.config.jax_enable_x64 else input_ids.astype(jnp.float64).astype(jnp.int32) * 0 + input_ids  # keep int dtype
    # prev token: pad left with 0, drop last
    prev = jnp.pad(input_ids[:, :-1], ((0, 0), (1, 0)))
    # hash in int64-safe space: use float-free modular arithmetic via int32-safe decomposition
    # (input_ids * 8191 + prev) % BUCKETS, computed without overflow:
    # (a*8191) % M == ((a % M) * (8191 % M)) % M only if product fits; use 64-bit via two 32-bit halves
    a = input_ids.astype(jnp.uint32)
    p = prev.astype(jnp.uint32)
    # a*8191 can reach ~8.19e9 which overflows 32 bits; compute mod using split: a*8191 = a*8000 + a*191
    m = jnp.uint32(BUCKETS)
    t1 = (a % m) * jnp.uint32(8000) % m
    t2 = (a % m) * jnp.uint32(191) % m
    hashed = ((t1 + t2) % m + p % m) % m
    hashed = hashed.astype(jnp.int32)
    emb = jnp.take(table, hashed, axis=0)  # [B, L, HASH_DIM]
    out = emb @ W.T + b                    # [B, L, MODEL_DIM]
    return out

if __name__ == "__main__":
    import jax
    _d = setup_inputs()
    print(jax.jit(kernel)(*tuple(_d.values())))

</pallas_src>

<mosaic_0001>
#map = affine_map<(d0, d1) -> (0)>
#map1 = affine_map<(d0, d1) -> (0, 0)>
module attributes {stable_mosaic.version = 14 : i64} {
  func.func @k(%arg0: i32, %arg1: i32, %arg2: memref<409600xi32, #tpu.memory_space<hbm>>, %arg3: memref<1000000x32xf32, #tpu.memory_space<hbm>>, %arg4: memref<409600x32xf32, #tpu.memory_space<hbm>>, %arg5: memref<1280xi32, #tpu.memory_space<vmem>>, %arg6: memref<1280x32xf32, #tpu.memory_space<vmem>>, %arg7: memref<!tpu.dma_semaphore, #tpu.memory_space<semaphore_mem>>) attributes {dimension_semantics = [#tpu.dimension_semantics<core_parallel>, #tpu.dimension_semantics<subcore_parallel>], iteration_bounds = array<i64: 2, 16>, scalar_prefetch = 0 : i64, scratch_operands = 3 : i64, tpu.core_type = #tpu.core_type<sc_vector_subcore>, window_params = [{transform_indices = #map}, {transform_indices = #map1}, {transform_indices = #map1}]} {
    %mul3A = arith.constant 2 : i32
    %mul3A_0 = arith.muli %arg1, %mul3A : i32
    %add3A = arith.addi %mul3A_0, %arg0 : i32
    %mul3A_1 = arith.constant 12800 : i32
    %mul3A_2 = arith.muli %add3A, %mul3A_1 : i32
    %scan3A = arith.constant 0 : i32
    %scan3A_3 = arith.constant 0 : i32
    %scan3A_4 = arith.constant 10 : i32
    %scan3A_5 = arith.addi %scan3A_3, %scan3A_4 : i32
    %scan3A_6 = arith.constant 1 : i32
    scf.for %scan3A_8 = %scan3A_3 to %scan3A_5 step %scan3A_6  : i32 {
      %mul3A_9 = arith.constant 1280 : i32
      %mul3A_10 = arith.muli %scan3A_8, %mul3A_9 : i32
      %add3A_11 = arith.addi %mul3A_2, %mul3A_10 : i32
      "tpu.region"() ({
        %run_scoped3A = tpu.sem_alloc : memref<!tpu.dma_semaphore, #tpu.memory_space<semaphore_mem>>
        %dma_start3A_170 = tpu.memref_slice %arg2[%add3A_11] : memref<409600xi32, #tpu.memory_space<hbm>> -> memref<1280xi32, #tpu.memory_space<hbm>>
        %dma_start3A_171 = tpu.memref_slice %arg2[%add3A_11] : memref<409600xi32, #tpu.memory_space<hbm>> -> memref<1280xi32, #tpu.memory_space<hbm>>
        tpu.enqueue_dma source(%dma_start3A_171 : memref<1280xi32, #tpu.memory_space<hbm>>) target(%arg5 : memref<1280xi32, #tpu.memory_space<vmem>>) target_semaphore(%run_scoped3A : memref<!tpu.dma_semaphore, #tpu.memory_space<semaphore_mem>>)
        %dma_wait3A_172 = tpu.memref_slice %arg2[%add3A_11] : memref<409600xi32, #tpu.memory_space<hbm>> -> memref<1280xi32, #tpu.memory_space<hbm>>
        %dma_wait3A_173 = tpu.memref_slice %arg2[%add3A_11] : memref<409600xi32, #tpu.memory_space<hbm>> -> memref<1280xi32, #tpu.memory_space<hbm>>
        tpu.wait_dma2 semaphore(%run_scoped3A : memref<!tpu.dma_semaphore, #tpu.memory_space<semaphore_mem>>) src(%dma_wait3A_173 : memref<1280xi32, #tpu.memory_space<hbm>>) dst(%arg5 : memref<1280xi32, #tpu.memory_space<vmem>>)
        tpu.yield
      }) : () -> ()
      %dma_start3A = arith.constant 0 : i32
      %dma_start3A_12 = arith.constant 0 : i32
      %dma_start3A_13 = tpu.memref_slice %arg6[%dma_start3A, %dma_start3A_12] : memref<1280x32xf32, #tpu.memory_space<vmem>> -> memref<128x32xf32, #tpu.memory_space<vmem>>
      %dma_start3A_14 = arith.constant 0 : i32
      %dma_start3A_15 = tpu.memref_slice %arg5[%dma_start3A_14] : memref<1280xi32, #tpu.memory_space<vmem>> -> memref<128xi32, #tpu.memory_space<vmem>>
      %dma_start3A_16 = arith.constant 0 : i32
      %dma_start3A_17 = arith.constant 0 : i32
      %dma_start3A_18 = tpu.memref_slice %arg3[%dma_start3A_16, %dma_start3A_17] : memref<1000000x32xf32, #tpu.memory_space<hbm>> -> memref<1000000x32xf32, #tpu.memory_space<hbm>>
      tpu.enqueue_indirect_dma source(%dma_start3A_18 : memref<1000000x32xf32, #tpu.memory_space<hbm>>) target(%dma_start3A_13 : memref<128x32xf32, #tpu.memory_space<vmem>>) offsets(%dma_start3A_15 : memref<128xi32, #tpu.memory_space<vmem>>) semaphore(%arg7 : memref<!tpu.dma_semaphore, #tpu.memory_space<semaphore_mem>>)
      %dma_start3A_19 = arith.constant 128 : i32
      %dma_start3A_20 = arith.constant 0 : i32
      %dma_start3A_21 = tpu.memref_slice %arg6[%dma_start3A_19, %dma_start3A_20] : memref<1280x32xf32, #tpu.memory_space<vmem>> -> memref<128x32xf32, #tpu.memory_space<vmem>>
      %dma_start3A_22 = arith.constant 128 : i32
      %dma_start3A_23 = tpu.memref_slice %arg5[%dma_start3A_22] : memref<1280xi32, #tpu.memory_space<vmem>> -> memref<128xi32, #tpu.memory_space<vmem>>
      %dma_start3A_24 = arith.constant 0 : i32
      %dma_start3A_25 = arith.constant 0 : i32
      %dma_start3A_26 = tpu.memref_slice %arg3[%dma_start3A_24, %dma_start3A_25] : memref<1000000x32xf32, #tpu.memory_space<hbm>> -> memref<1000000x32xf32, #tpu.memory_space<hbm>>
      tpu.enqueue_indirect_dma source(%dma_start3A_26 : memref<1000000x32xf32, #tpu.memory_space<hbm>>) target(%dma_start3A_21 : memref<128x32xf32, #tpu.memory_space<vmem>>) offsets(%dma_start3A_23 : memref<128xi32, #tpu.memory_space<vmem>>) semaphore(%arg7 : memref<!tpu.dma_semaphore, #tpu.memory_space<semaphore_mem>>)
      %dma_start3A_27 = arith.constant 256 : i32
      %dma_start3A_28 = arith.constant 0 : i32
      %dma_start3A_29 = tpu.memref_slice %arg6[%dma_start3A_27, %dma_start3A_28] : memref<1280x32xf32, #tpu.memory_space<vmem>> -> memref<128x32xf32, #tpu.memory_space<vmem>>
      %dma_start3A_30 = arith.constant 256 : i32
      %dma_start3A_31 = tpu.memref_slice %arg5[%dma_start3A_30] : memref<1280xi32, #tpu.memory_space<vmem>> -> memref<128xi32, #tpu.memory_space<vmem>>
      %dma_start3A_32 = arith.constant 0 : i32
      %dma_start3A_33 = arith.constant 0 : i32
      %dma_start3A_34 = tpu.memref_slice %arg3[%dma_start3A_32, %dma_start3A_33] : memref<1000000x32xf32, #tpu.memory_space<hbm>> -> memref<1000000x32xf32, #tpu.memory_space<hbm>>
      tpu.enqueue_indirect_dma source(%dma_start3A_34 : memref<1000000x32xf32, #tpu.memory_space<hbm>>) target(%dma_start3A_29 : memref<128x32xf32, #tpu.memory_space<vmem>>) offsets(%dma_start3A_31 : memref<128xi32, #tpu.memory_space<vmem>>) semaphore(%arg7 : memref<!tpu.dma_semaphore, #tpu.memory_space<semaphore_mem>>)
      %dma_start3A_35 = arith.constant 384 : i32
      %dma_start3A_36 = arith.constant 0 : i32
      %dma_start3A_37 = tpu.memref_slice %arg6[%dma_start3A_35, %dma_start3A_36] : memref<1280x32xf32, #tpu.memory_space<vmem>> -> memref<128x32xf32, #tpu.memory_space<vmem>>
      %dma_start3A_38 = arith.constant 384 : i32
      %dma_start3A_39 = tpu.memref_slice %arg5[%dma_start3A_38] : memref<1280xi32, #tpu.memory_space<vmem>> -> memref<128xi32, #tpu.memory_space<vmem>>
      %dma_start3A_40 = arith.constant 0 : i32
      %dma_start3A_41 = arith.constant 0 : i32
      %dma_start3A_42 = tpu.memref_slice %arg3[%dma_start3A_40, %dma_start3A_41] : memref<1000000x32xf32, #tpu.memory_space<hbm>> -> memref<1000000x32xf32, #tpu.memory_space<hbm>>
      tpu.enqueue_indirect_dma source(%dma_start3A_42 : memref<1000000x32xf32, #tpu.memory_space<hbm>>) target(%dma_start3A_37 : memref<128x32xf32, #tpu.memory_space<vmem>>) offsets(%dma_start3A_39 : memref<128xi32, #tpu.memory_space<vmem>>) semaphore(%arg7 : memref<!tpu.dma_semaphore, #tpu.memory_space<semaphore_mem>>)
      %dma_start3A_43 = arith.constant 512 : i32
      %dma_start3A_44 = arith.constant 0 : i32
      %dma_start3A_45 = tpu.memref_slice %arg6[%dma_start3A_43, %dma_start3A_44] : memref<1280x32xf32, #tpu.memory_space<vmem>> -> memref<128x32xf32, #tpu.memory_space<vmem>>
      %dma_start3A_46 = arith.constant 512 : i32
      %dma_start3A_47 = tpu.memref_slice %arg5[%dma_start3A_46] : memref<1280xi32, #tpu.memory_space<vmem>> -> memref<128xi32, #tpu.memory_space<vmem>>
      %dma_start3A_48 = arith.constant 0 : i32
      %dma_start3A_49 = arith.constant 0 : i32
      %dma_start3A_50 = tpu.memref_slice %arg3[%dma_start3A_48, %dma_start3A_49] : memref<1000000x32xf32, #tpu.memory_space<hbm>> -> memref<1000000x32xf32, #tpu.memory_space<hbm>>
      tpu.enqueue_indirect_dma source(%dma_start3A_50 : memref<1000000x32xf32, #tpu.memory_space<hbm>>) target(%dma_start3A_45 : memref<128x32xf32, #tpu.memory_space<vmem>>) offsets(%dma_start3A_47 : memref<128xi32, #tpu.memory_space<vmem>>) semaphore(%arg7 : memref<!tpu.dma_semaphore, #tpu.memory_space<semaphore_mem>>)
      %dma_start3A_51 = arith.constant 640 : i32
      %dma_start3A_52 = arith.constant 0 : i32
      %dma_start3A_53 = tpu.memref_slice %arg6[%dma_start3A_51, %dma_start3A_52] : memref<1280x32xf32, #tpu.memory_space<vmem>> -> memref<128x32xf32, #tpu.memory_space<vmem>>
      %dma_start3A_54 = arith.constant 640 : i32
      %dma_start3A_55 = tpu.memref_slice %arg5[%dma_start3A_54] : memref<1280xi32, #tpu.memory_space<vmem>> -> memref<128xi32, #tpu.memory_space<vmem>>
      %dma_start3A_56 = arith.constant 0 : i32
      %dma_start3A_57 = arith.constant 0 : i32
      %dma_start3A_58 = tpu.memref_slice %arg3[%dma_start3A_56, %dma_start3A_57] : memref<1000000x32xf32, #tpu.memory_space<hbm>> -> memref<1000000x32xf32, #tpu.memory_space<hbm>>
      tpu.enqueue_indirect_dma source(%dma_start3A_58 : memref<1000000x32xf32, #tpu.memory_space<hbm>>) target(%dma_start3A_53 : memref<128x32xf32, #tpu.memory_space<vmem>>) offsets(%dma_start3A_55 : memref<128xi32, #tpu.memory_space<vmem>>) semaphore(%arg7 : memref<!tpu.dma_semaphore, #tpu.memory_space<semaphore_mem>>)
      %dma_start3A_59 = arith.constant 768 : i32
      %dma_start3A_60 = arith.constant 0 : i32
      %dma_start3A_61 = tpu.memref_slice %arg6[%dma_start3A_59, %dma_start3A_60] : memref<1280x32xf32, #tpu.memory_space<vmem>> -> memref<128x32xf32, #tpu.memory_space<vmem>>
      %dma_start3A_62 = arith.constant 768 : i32
      %dma_start3A_63 = tpu.memref_slice %arg5[%dma_start3A_62] : memref<1280xi32, #tpu.memory_space<vmem>> -> memref<128xi32, #tpu.memory_space<vmem>>
      %dma_start3A_64 = arith.constant 0 : i32
      %dma_start3A_65 = arith.constant 0 : i32
      %dma_start3A_66 = tpu.memref_slice %arg3[%dma_start3A_64, %dma_start3A_65] : memref<1000000x32xf32, #tpu.memory_space<hbm>> -> memref<1000000x32xf32, #tpu.memory_space<hbm>>
      tpu.enqueue_indirect_dma source(%dma_start3A_66 : memref<1000000x32xf32, #tpu.memory_space<hbm>>) target(%dma_start3A_61 : memref<128x32xf32, #tpu.memory_space<vmem>>) offsets(%dma_start3A_63 : memref<128xi32, #tpu.memory_space<vmem>>) semaphore(%arg7 : memref<!tpu.dma_semaphore, #tpu.memory_space<semaphore_mem>>)
      %dma_start3A_67 = arith.constant 896 : i32
      %dma_start3A_68 = arith.constant 0 : i32
      %dma_start3A_69 = tpu.memref_slice %arg6[%dma_start3A_67, %dma_start3A_68] : memref<1280x32xf32, #tpu.memory_space<vmem>> -> memref<128x32xf32, #tpu.memory_space<vmem>>
      %dma_start3A_70 = arith.constant 896 : i32
      %dma_start3A_71 = tpu.memref_slice %arg5[%dma_start3A_70] : memref<1280xi32, #tpu.memory_space<vmem>> -> memref<128xi32, #tpu.memory_space<vmem>>
      %dma_start3A_72 = arith.constant 0 : i32
      %dma_start3A_73 = arith.constant 0 : i32
      %dma_start3A_74 = tpu.memref_slice %arg3[%dma_start3A_72, %dma_start3A_73] : memref<1000000x32xf32, #tpu.memory_space<hbm>> -> memref<1000000x32xf32, #tpu.memory_space<hbm>>
      tpu.enqueue_indirect_dma source(%dma_start3A_74 : memref<1000000x32xf32, #tpu.memory_space<hbm>>) target(%dma_start3A_69 : memref<128x32xf32, #tpu.memory_space<vmem>>) offsets(%dma_start3A_71 : memref<128xi32, #tpu.memory_space<vmem>>) semaphore(%arg7 : memref<!tpu.dma_semaphore, #tpu.memory_space<semaphore_mem>>)
      %dma_start3A_75 = arith.constant 1024 : i32
      %dma_start3A_76 = arith.constant 0 : i32
      %dma_start3A_77 = tpu.memref_slice %arg6[%dma_start3A_75, %dma_start3A_76] : memref<1280x32xf32, #tpu.memory_space<vmem>> -> memref<128x32xf32, #tpu.memory_space<vmem>>
      %dma_start3A_78 = arith.constant 1024 : i32
      %dma_start3A_79 = tpu.memref_slice %arg5[%dma_start3A_78] : memref<1280xi32, #tpu.memory_space<vmem>> -> memref<128xi32, #tpu.memory_space<vmem>>
      %dma_start3A_80 = arith.constant 0 : i32
      %dma_start3A_81 = arith.constant 0 : i32
      %dma_start3A_82 = tpu.memref_slice %arg3[%dma_start3A_80, %dma_start3A_81] : memref<1000000x32xf32, #tpu.memory_space<hbm>> -> memref<1000000x32xf32, #tpu.memory_space<hbm>>
      tpu.enqueue_indirect_dma source(%dma_start3A_82 : memref<1000000x32xf32, #tpu.memory_space<hbm>>) target(%dma_start3A_77 : memref<128x32xf32, #tpu.memory_space<vmem>>) offsets(%dma_start3A_79 : memref<128xi32, #tpu.memory_space<vmem>>) semaphore(%arg7 : memref<!tpu.dma_semaphore, #tpu.memory_space<semaphore_mem>>)
      %dma_start3A_83 = arith.constant 1152 : i32
      %dma_start3A_84 = arith.constant 0 : i32
      %dma_start3A_85 = tpu.memref_slice %arg6[%dma_start3A_83, %dma_start3A_84] : memref<1280x32xf32, #tpu.memory_space<vmem>> -> memref<128x32xf32, #tpu.memory_space<vmem>>
      %dma_start3A_86 = arith.constant 1152 : i32
      %dma_start3A_87 = tpu.memref_slice %arg5[%dma_start3A_86] : memref<1280xi32, #tpu.memory_space<vmem>> -> memref<128xi32, #tpu.memory_space<vmem>>
      %dma_start3A_88 = arith.constant 0 : i32
      %dma_start3A_89 = arith.constant 0 : i32
      %dma_start3A_90 = tpu.memref_slice %arg3[%dma_start3A_88, %dma_start3A_89] : memref<1000000x32xf32, #tpu.memory_space<hbm>> -> memref<1000000x32xf32, #tpu.memory_space<hbm>>
      tpu.enqueue_indirect_dma source(%dma_start3A_90 : memref<1000000x32xf32, #tpu.memory_space<hbm>>) target(%dma_start3A_85 : memref<128x32xf32, #tpu.memory_space<vmem>>) offsets(%dma_start3A_87 : memref<128xi32, #tpu.memory_space<vmem>>) semaphore(%arg7 : memref<!tpu.dma_semaphore, #tpu.memory_space<semaphore_mem>>)
      %dma_wait3A = arith.constant 0 : i32
      %dma_wait3A_91 = arith.constant 0 : i32
      %dma_wait3A_92 = tpu.memref_slice %arg6[%dma_wait3A, %dma_wait3A_91] : memref<1280x32xf32, #tpu.memory_space<vmem>> -> memref<128x32xf32, #tpu.memory_space<vmem>>
      %dma_wait3A_93 = arith.constant 0 : i32
      %dma_wait3A_94 = tpu.memref_slice %arg5[%dma_wait3A_93] : memref<1280xi32, #tpu.memory_space<vmem>> -> memref<128xi32, #tpu.memory_space<vmem>>
      %dma_wait3A_95 = arith.constant 0 : i32
      %dma_wait3A_96 = arith.constant 0 : i32
      %dma_wait3A_97 = tpu.memref_slice %arg3[%dma_wait3A_95, %dma_wait3A_96] : memref<1000000x32xf32, #tpu.memory_space<hbm>> -> memref<1000000x32xf32, #tpu.memory_space<hbm>>
      tpu.wait_indirect_dma semaphore(%arg7 : memref<!tpu.dma_semaphore, #tpu.memory_space<semaphore_mem>>) src(%dma_wait3A_97 : memref<1000000x32xf32, #tpu.memory_space<hbm>>) dst(%dma_wait3A_92 : memref<128x32xf32, #tpu.memory_space<vmem>>)
      %dma_wait3A_98 = arith.constant 128 : i32
      %dma_wait3A_99 = arith.constant 0 : i32
      %dma_wait3A_100 = tpu.memref_slice %arg6[%dma_wait3A_98, %dma_wait3A_99] : memref<1280x32xf32, #tpu.memory_space<vmem>> -> memref<128x32xf32, #tpu.memory_space<vmem>>
      %dma_wait3A_101 = arith.constant 128 : i32
      %dma_wait3A_102 = tpu.memref_slice %arg5[%dma_wait3A_101] : memref<1280xi32, #tpu.memory_space<vmem>> -> memref<128xi32, #tpu.memory_space<vmem>>
      %dma_wait3A_103 = arith.constant 0 : i32
      %dma_wait3A_104 = arith.constant 0 : i32
      %dma_wait3A_105 = tpu.memref_slice %arg3[%dma_wait3A_103, %dma_wait3A_104] : memref<1000000x32xf32, #tpu.memory_space<hbm>> -> memref<1000000x32xf32, #tpu.memory_space<hbm>>
      tpu.wait_indirect_dma semaphore(%arg7 : memref<!tpu.dma_semaphore, #tpu.memory_space<semaphore_mem>>) src(%dma_wait3A_105 : memref<1000000x32xf32, #tpu.memory_space<hbm>>) dst(%dma_wait3A_100 : memref<128x32xf32, #tpu.memory_space<vmem>>)
      %dma_wait3A_106 = arith.constant 256 : i32
      %dma_wait3A_107 = arith.constant 0 : i32
      %dma_wait3A_108 = tpu.memref_slice %arg6[%dma_wait3A_106, %dma_wait3A_107] : memref<1280x32xf32, #tpu.memory_space<vmem>> -> memref<128x32xf32, #tpu.memory_space<vmem>>
      %dma_wait3A_109 = arith.constant 256 : i32
      %dma_wait3A_110 = tpu.memref_slice %arg5[%dma_wait3A_109] : memref<1280xi32, #tpu.memory_space<vmem>> -> memref<128xi32, #tpu.memory_space<vmem>>
      %dma_wait3A_111 = arith.constant 0 : i32
      %dma_wait3A_112 = arith.constant 0 : i32
      %dma_wait3A_113 = tpu.memref_slice %arg3[%dma_wait3A_111, %dma_wait3A_112] : memref<1000000x32xf32, #tpu.memory_space<hbm>> -> memref<1000000x32xf32, #tpu.memory_space<hbm>>
      tpu.wait_indirect_dma semaphore(%arg7 : memref<!tpu.dma_semaphore, #tpu.memory_space<semaphore_mem>>) src(%dma_wait3A_113 : memref<1000000x32xf32, #tpu.memory_space<hbm>>) dst(%dma_wait3A_108 : memref<128x32xf32, #tpu.memory_space<vmem>>)
      %dma_wait3A_114 = arith.constant 384 : i32
      %dma_wait3A_115 = arith.constant 0 : i32
      %dma_wait3A_116 = tpu.memref_slice %arg6[%dma_wait3A_114, %dma_wait3A_115] : memref<1280x32xf32, #tpu.memory_space<vmem>> -> memref<128x32xf32, #tpu.memory_space<vmem>>
      %dma_wait3A_117 = arith.constant 384 : i32
      %dma_wait3A_118 = tpu.memref_slice %arg5[%dma_wait3A_117] : memref<1280xi32, #tpu.memory_space<vmem>> -> memref<128xi32, #tpu.memory_space<vmem>>
      %dma_wait3A_119 = arith.constant 0 : i32
      %dma_wait3A_120 = arith.constant 0 : i32
      %dma_wait3A_121 = tpu.memref_slice %arg3[%dma_wait3A_119, %dma_wait3A_120] : memref<1000000x32xf32, #tpu.memory_space<hbm>> -> memref<1000000x32xf32, #tpu.memory_space<hbm>>
      tpu.wait_indirect_dma semaphore(%arg7 : memref<!tpu.dma_semaphore, #tpu.memory_space<semaphore_mem>>) src(%dma_wait3A_121 : memref<1000000x32xf32, #tpu.memory_space<hbm>>) dst(%dma_wait3A_116 : memref<128x32xf32, #tpu.memory_space<vmem>>)
      %dma_wait3A_122 = arith.constant 512 : i32
      %dma_wait3A_123 = arith.constant 0 : i32
      %dma_wait3A_124 = tpu.memref_slice %arg6[%dma_wait3A_122, %dma_wait3A_123] : memref<1280x32xf32, #tpu.memory_space<vmem>> -> memref<128x32xf32, #tpu.memory_space<vmem>>
      %dma_wait3A_125 = arith.constant 512 : i32
      %dma_wait3A_126 = tpu.memref_slice %arg5[%dma_wait3A_125] : memref<1280xi32, #tpu.memory_space<vmem>> -> memref<128xi32, #tpu.memory_space<vmem>>
      %dma_wait3A_127 = arith.constant 0 : i32
      %dma_wait3A_128 = arith.constant 0 : i32
      %dma_wait3A_129 = tpu.memref_slice %arg3[%dma_wait3A_127, %dma_wait3A_128] : memref<1000000x32xf32, #tpu.memory_space<hbm>> -> memref<1000000x32xf32, #tpu.memory_space<hbm>>
      tpu.wait_indirect_dma semaphore(%arg7 : memref<!tpu.dma_semaphore, #tpu.memory_space<semaphore_mem>>) src(%dma_wait3A_129 : memref<1000000x32xf32, #tpu.memory_space<hbm>>) dst(%dma_wait3A_124 : memref<128x32xf32, #tpu.memory_space<vmem>>)
      %dma_wait3A_130 = arith.constant 640 : i32
      %dma_wait3A_131 = arith.constant 0 : i32
      %dma_wait3A_132 = tpu.memref_slice %arg6[%dma_wait3A_130, %dma_wait3A_131] : memref<1280x32xf32, #tpu.memory_space<vmem>> -> memref<128x32xf32, #tpu.memory_space<vmem>>
      %dma_wait3A_133 = arith.constant 640 : i32
      %dma_wait3A_134 = tpu.memref_slice %arg5[%dma_wait3A_133] : memref<1280xi32, #tpu.memory_space<vmem>> -> memref<128xi32, #tpu.memory_space<vmem>>
      %dma_wait3A_135 = arith.constant 0 : i32
      %dma_wait3A_136 = arith.constant 0 : i32
      %dma_wait3A_137 = tpu.memref_slice %arg3[%dma_wait3A_135, %dma_wait3A_136] : memref<1000000x32xf32, #tpu.memory_space<hbm>> -> memref<1000000x32xf32, #tpu.memory_space<hbm>>
      tpu.wait_indirect_dma semaphore(%arg7 : memref<!tpu.dma_semaphore, #tpu.memory_space<semaphore_mem>>) src(%dma_wait3A_137 : memref<1000000x32xf32, #tpu.memory_space<hbm>>) dst(%dma_wait3A_132 : memref<128x32xf32, #tpu.memory_space<vmem>>)
      %dma_wait3A_138 = arith.constant 768 : i32
      %dma_wait3A_139 = arith.constant 0 : i32
      %dma_wait3A_140 = tpu.memref_slice %arg6[%dma_wait3A_138, %dma_wait3A_139] : memref<1280x32xf32, #tpu.memory_space<vmem>> -> memref<128x32xf32, #tpu.memory_space<vmem>>
      %dma_wait3A_141 = arith.constant 768 : i32
      %dma_wait3A_142 = tpu.memref_slice %arg5[%dma_wait3A_141] : memref<1280xi32, #tpu.memory_space<vmem>> -> memref<128xi32, #tpu.memory_space<vmem>>
      %dma_wait3A_143 = arith.constant 0 : i32
      %dma_wait3A_144 = arith.constant 0 : i32
      %dma_wait3A_145 = tpu.memref_slice %arg3[%dma_wait3A_143, %dma_wait3A_144] : memref<1000000x32xf32, #tpu.memory_space<hbm>> -> memref<1000000x32xf32, #tpu.memory_space<hbm>>
      tpu.wait_indirect_dma semaphore(%arg7 : memref<!tpu.dma_semaphore, #tpu.memory_space<semaphore_mem>>) src(%dma_wait3A_145 : memref<1000000x32xf32, #tpu.memory_space<hbm>>) dst(%dma_wait3A_140 : memref<128x32xf32, #tpu.memory_space<vmem>>)
      %dma_wait3A_146 = arith.constant 896 : i32
      %dma_wait3A_147 = arith.constant 0 : i32
      %dma_wait3A_148 = tpu.memref_slice %arg6[%dma_wait3A_146, %dma_wait3A_147] : memref<1280x32xf32, #tpu.memory_space<vmem>> -> memref<128x32xf32, #tpu.memory_space<vmem>>
      %dma_wait3A_149 = arith.constant 896 : i32
      %dma_wait3A_150 = tpu.memref_slice %arg5[%dma_wait3A_149] : memref<1280xi32, #tpu.memory_space<vmem>> -> memref<128xi32, #tpu.memory_space<vmem>>
      %dma_wait3A_151 = arith.constant 0 : i32
      %dma_wait3A_152 = arith.constant 0 : i32
      %dma_wait3A_153 = tpu.memref_slice %arg3[%dma_wait3A_151, %dma_wait3A_152] : memref<1000000x32xf32, #tpu.memory_space<hbm>> -> memref<1000000x32xf32, #tpu.memory_space<hbm>>
      tpu.wait_indirect_dma semaphore(%arg7 : memref<!tpu.dma_semaphore, #tpu.memory_space<semaphore_mem>>) src(%dma_wait3A_153 : memref<1000000x32xf32, #tpu.memory_space<hbm>>) dst(%dma_wait3A_148 : memref<128x32xf32, #tpu.memory_space<vmem>>)
      %dma_wait3A_154 = arith.constant 1024 : i32
      %dma_wait3A_155 = arith.constant 0 : i32
      %dma_wait3A_156 = tpu.memref_slice %arg6[%dma_wait3A_154, %dma_wait3A_155] : memref<1280x32xf32, #tpu.memory_space<vmem>> -> memref<128x32xf32, #tpu.memory_space<vmem>>
      %dma_wait3A_157 = arith.constant 1024 : i32
      %dma_wait3A_158 = tpu.memref_slice %arg5[%dma_wait3A_157] : memref<1280xi32, #tpu.memory_space<vmem>> -> memref<128xi32, #tpu.memory_space<vmem>>
      %dma_wait3A_159 = arith.constant 0 : i32
      %dma_wait3A_160 = arith.constant 0 : i32
      %dma_wait3A_161 = tpu.memref_slice %arg3[%dma_wait3A_159, %dma_wait3A_160] : memref<1000000x32xf32, #tpu.memory_space<hbm>> -> memref<1000000x32xf32, #tpu.memory_space<hbm>>
      tpu.wait_indirect_dma semaphore(%arg7 : memref<!tpu.dma_semaphore, #tpu.memory_space<semaphore_mem>>) src(%dma_wait3A_161 : memref<1000000x32xf32, #tpu.memory_space<hbm>>) dst(%dma_wait3A_156 : memref<128x32xf32, #tpu.memory_space<vmem>>)
      %dma_wait3A_162 = arith.constant 1152 : i32
      %dma_wait3A_163 = arith.constant 0 : i32
      %dma_wait3A_164 = tpu.memref_slice %arg6[%dma_wait3A_162, %dma_wait3A_163] : memref<1280x32xf32, #tpu.memory_space<vmem>> -> memref<128x32xf32, #tpu.memory_space<vmem>>
      %dma_wait3A_165 = arith.constant 1152 : i32
      %dma_wait3A_166 = tpu.memref_slice %arg5[%dma_wait3A_165] : memref<1280xi32, #tpu.memory_space<vmem>> -> memref<128xi32, #tpu.memory_space<vmem>>
      %dma_wait3A_167 = arith.constant 0 : i32
      %dma_wait3A_168 = arith.constant 0 : i32
      %dma_wait3A_169 = tpu.memref_slice %arg3[%dma_wait3A_167, %dma_wait3A_168] : memref<1000000x32xf32, #tpu.memory_space<hbm>> -> memref<1000000x32xf32, #tpu.memory_space<hbm>>
      tpu.wait_indirect_dma semaphore(%arg7 : memref<!tpu.dma_semaphore, #tpu.memory_space<semaphore_mem>>) src(%dma_wait3A_169 : memref<1000000x32xf32, #tpu.memory_space<hbm>>) dst(%dma_wait3A_164 : memref<128x32xf32, #tpu.memory_space<vmem>>)
      "tpu.region"() ({
        %run_scoped3A = tpu.sem_alloc : memref<!tpu.dma_semaphore, #tpu.memory_space<semaphore_mem>>
        %dma_start3A_170 = arith.constant 0 : i32
        %dma_start3A_171 = tpu.memref_slice %arg4[%add3A_11, %dma_start3A_170] : memref<409600x32xf32, #tpu.memory_space<hbm>> -> memref<1280x32xf32, #tpu.memory_space<hbm>>
        %dma_start3A_172 = arith.constant 0 : i32
        %dma_start3A_173 = tpu.memref_slice %arg4[%add3A_11, %dma_start3A_172] : memref<409600x32xf32, #tpu.memory_space<hbm>> -> memref<1280x32xf32, #tpu.memory_space<hbm>>
        tpu.enqueue_dma source(%arg6 : memref<1280x32xf32, #tpu.memory_space<vmem>>) target(%dma_start3A_173 : memref<1280x32xf32, #tpu.memory_space<hbm>>) target_semaphore(%run_scoped3A : memref<!tpu.dma_semaphore, #tpu.memory_space<semaphore_mem>>)
        %dma_wait3A_174 = arith.constant 0 : i32
        %dma_wait3A_175 = tpu.memref_slice %arg4[%add3A_11, %dma_wait3A_174] : memref<409600x32xf32, #tpu.memory_space<hbm>> -> memref<1280x32xf32, #tpu.memory_space<hbm>>
        %dma_wait3A_176 = arith.constant 0 : i32
        %dma_wait3A_177 = tpu.memref_slice %arg4[%add3A_11, %dma_wait3A_176] : memref<409600x32xf32, #tpu.memory_space<hbm>> -> memref<1280x32xf32, #tpu.memory_space<hbm>>
        tpu.wait_dma2 semaphore(%run_scoped3A : memref<!tpu.dma_semaphore, #tpu.memory_space<semaphore_mem>>) src(%arg6 : memref<1280x32xf32, #tpu.memory_space<vmem>>) dst(%dma_wait3A_177 : memref<1280x32xf32, #tpu.memory_space<hbm>>)
        tpu.yield
      }) : () -> ()
    }
    %scan3A_7 = arith.constant 10 : i32
    return
  }
}

#map = affine_map<(d0, d1) -> (0)>
#map1 = affine_map<(d0, d1) -> (0, 0)>
module attributes {stable_mosaic.version = 14 : i64} {
  func.func @k(%arg0: i32, %arg1: i32, %arg2: memref<409600xi32, #tpu.memory_space<hbm>>, %arg3: memref<1000000x32xf32, #tpu.memory_space<hbm>>, %arg4: memref<409600x32xf32, #tpu.memory_space<hbm>>, %arg5: memref<1280xi32, #tpu.memory_space<vmem>>, %arg6: memref<1280x32xf32, #tpu.memory_space<vmem>>, %arg7: memref<!tpu.dma_semaphore, #tpu.memory_space<semaphore_mem>>) attributes {dimension_semantics = [#tpu.dimension_semantics<core_parallel>, #tpu.dimension_semantics<subcore_parallel>], iteration_bounds = array<i64: 2, 16>, scalar_prefetch = 0 : i64, scratch_operands = 3 : i64, tpu.core_type = #tpu.core_type<sc_vector_subcore>, window_params = [{transform_indices = #map}, {transform_indices = #map1}, {transform_indices = #map1}]} {
    %mul3A = arith.constant 2 : i32
    %mul3A_0 = arith.muli %arg1, %mul3A : i32
    %add3A = arith.addi %mul3A_0, %arg0 : i32
    %mul3A_1 = arith.constant 12800 : i32
    %mul3A_2 = arith.muli %add3A, %mul3A_1 : i32
    %scan3A = arith.constant 0 : i32
    %scan3A_3 = arith.constant 0 : i32
    %scan3A_4 = arith.constant 10 : i32
    %scan3A_5 = arith.addi %scan3A_3, %scan3A_4 : i32
    %scan3A_6 = arith.constant 1 : i32
    scf.for %scan3A_8 = %scan3A_3 to %scan3A_5 step %scan3A_6  : i32 {
      %mul3A_9 = arith.constant 1280 : i32
      %mul3A_10 = arith.muli %scan3A_8, %mul3A_9 : i32
      %add3A_11 = arith.addi %mul3A_2, %mul3A_10 : i32
      "tpu.region"() ({
        %run_scoped3A = tpu.sem_alloc : memref<!tpu.dma_semaphore, #tpu.memory_space<semaphore_mem>>
        %dma_start3A_170 = tpu.memref_slice %arg2[%add3A_11] : memref<409600xi32, #tpu.memory_space<hbm>> -> memref<1280xi32, #tpu.memory_space<hbm>>
        %dma_start3A_171 = tpu.memref_slice %arg2[%add3A_11] : memref<409600xi32, #tpu.memory_space<hbm>> -> memref<1280xi32, #tpu.memory_space<hbm>>
        tpu.enqueue_dma source(%dma_start3A_171 : memref<1280xi32, #tpu.memory_space<hbm>>) target(%arg5 : memref<1280xi32, #tpu.memory_space<vmem>>) target_semaphore(%run_scoped3A : memref<!tpu.dma_semaphore, #tpu.memory_space<semaphore_mem>>)
        %dma_wait3A_172 = tpu.memref_slice %arg2[%add3A_11] : memref<409600xi32, #tpu.memory_space<hbm>> -> memref<1280xi32, #tpu.memory_space<hbm>>
        %dma_wait3A_173 = tpu.memref_slice %arg2[%add3A_11] : memref<409600xi32, #tpu.memory_space<hbm>> -> memref<1280xi32, #tpu.memory_space<hbm>>
        tpu.wait_dma2 semaphore(%run_scoped3A : memref<!tpu.dma_semaphore, #tpu.memory_space<semaphore_mem>>) src(%dma_wait3A_173 : memref<1280xi32, #tpu.memory_space<hbm>>) dst(%arg5 : memref<1280xi32, #tpu.memory_space<vmem>>)
        tpu.yield
      }) : () -> ()
      %dma_start3A = arith.constant 0 : i32
      %dma_start3A_12 = arith.constant 0 : i32
      %dma_start3A_13 = tpu.memref_slice %arg6[%dma_start3A, %dma_start3A_12] : memref<1280x32xf32, #tpu.memory_space<vmem>> -> memref<128x32xf32, #tpu.memory_space<vmem>>
      %dma_start3A_14 = arith.constant 0 : i32
      %dma_start3A_15 = tpu.memref_slice %arg5[%dma_start3A_14] : memref<1280xi32, #tpu.memory_space<vmem>> -> memref<128xi32, #tpu.memory_space<vmem>>
      %dma_start3A_16 = arith.constant 0 : i32
      %dma_start3A_17 = arith.constant 0 : i32
      %dma_start3A_18 = tpu.memref_slice %arg3[%dma_start3A_16, %dma_start3A_17] : memref<1000000x32xf32, #tpu.memory_space<hbm>> -> memref<1000000x32xf32, #tpu.memory_space<hbm>>
      tpu.enqueue_indirect_dma source(%dma_start3A_18 : memref<1000000x32xf32, #tpu.memory_space<hbm>>) target(%dma_start3A_13 : memref<128x32xf32, #tpu.memory_space<vmem>>) offsets(%dma_start3A_15 : memref<128xi32, #tpu.memory_space<vmem>>) semaphore(%arg7 : memref<!tpu.dma_semaphore, #tpu.memory_space<semaphore_mem>>)
      %dma_start3A_19 = arith.constant 128 : i32
      %dma_start3A_20 = arith.constant 0 : i32
      %dma_start3A_21 = tpu.memref_slice %arg6[%dma_start3A_19, %dma_start3A_20] : memref<1280x32xf32, #tpu.memory_space<vmem>> -> memref<128x32xf32, #tpu.memory_space<vmem>>
      %dma_start3A_22 = arith.constant 128 : i32
      %dma_start3A_23 = tpu.memref_slice %arg5[%dma_start3A_22] : memref<1280xi32, #tpu.memory_space<vmem>> -> memref<128xi32, #tpu.memory_space<vmem>>
      %dma_start3A_24 = arith.constant 0 : i32
      %dma_start3A_25 = arith.constant 0 : i32
      %dma_start3A_26 = tpu.memref_slice %arg3[%dma_start3A_24, %dma_start3A_25] : memref<1000000x32xf32, #tpu.memory_space<hbm>> -> memref<1000000x32xf32, #tpu.memory_space<hbm>>
      tpu.enqueue_indirect_dma source(%dma_start3A_26 : memref<1000000x32xf32, #tpu.memory_space<hbm>>) target(%dma_start3A_21 : memref<128x32xf32, #tpu.memory_space<vmem>>) offsets(%dma_start3A_23 : memref<128xi32, #tpu.memory_space<vmem>>) semaphore(%arg7 : memref<!tpu.dma_semaphore, #tpu.memory_space<semaphore_mem>>)
      %dma_start3A_27 = arith.constant 256 : i32
      %dma_start3A_28 = arith.constant 0 : i32
      %dma_start3A_29 = tpu.memref_slice %arg6[%dma_start3A_27, %dma_start3A_28] : memref<1280x32xf32, #tpu.memory_space<vmem>> -> memref<128x32xf32, #tpu.memory_space<vmem>>
      %dma_start3A_30 = arith.constant 256 : i32
      %dma_start3A_31 = tpu.memref_slice %arg5[%dma_start3A_30] : memref<1280xi32, #tpu.memory_space<vmem>> -> memref<128xi32, #tpu.memory_space<vmem>>
      %dma_start3A_32 = arith.constant 0 : i32
      %dma_start3A_33 = arith.constant 0 : i32
      %dma_start3A_34 = tpu.memref_slice %arg3[%dma_start3A_32, %dma_start3A_33] : memref<1000000x32xf32, #tpu.memory_space<hbm>> -> memref<1000000x32xf32, #tpu.memory_space<hbm>>
      tpu.enqueue_indirect_dma source(%dma_start3A_34 : memref<1000000x32xf32, #tpu.memory_space<hbm>>) target(%dma_start3A_29 : memref<128x32xf32, #tpu.memory_space<vmem>>) offsets(%dma_start3A_31 : memref<128xi32, #tpu.memory_space<vmem>>) semaphore(%arg7 : memref<!tpu.dma_semaphore, #tpu.memory_space<semaphore_mem>>)
      %dma_start3A_35 = arith.constant 384 : i32
      %dma_start3A_36 = arith.constant 0 : i32
      %dma_start3A_37 = tpu.memref_slice %arg6[%dma_start3A_35, %dma_start3A_36] : memref<1280x32xf32, #tpu.memory_space<vmem>> -> memref<128x32xf32, #tpu.memory_space<vmem>>
      %dma_start3A_38 = arith.constant 384 : i32
      %dma_start3A_39 = tpu.memref_slice %arg5[%dma_start3A_38] : memref<1280xi32, #tpu.memory_space<vmem>> -> memref<128xi32, #tpu.memory_space<vmem>>
      %dma_start3A_40 = arith.constant 0 : i32
      %dma_start3A_41 = arith.constant 0 : i32
      %dma_start3A_42 = tpu.memref_slice %arg3[%dma_start3A_40, %dma_start3A_41] : memref<1000000x32xf32, #tpu.memory_space<hbm>> -> memref<1000000x32xf32, #tpu.memory_space<hbm>>
      tpu.enqueue_indirect_dma source(%dma_start3A_42 : memref<1000000x32xf32, #tpu.memory_space<hbm>>) target(%dma_start3A_37 : memref<128x32xf32, #tpu.memory_space<vmem>>) offsets(%dma_start3A_39 : memref<128xi32, #tpu.memory_space<vmem>>) semaphore(%arg7 : memref<!tpu.dma_semaphore, #tpu.memory_space<semaphore_mem>>)
      %dma_start3A_43 = arith.constant 512 : i32
      %dma_start3A_44 = arith.constant 0 : i32
      %dma_start3A_45 = tpu.memref_slice %arg6[%dma_start3A_43, %dma_start3A_44] : memref<1280x32xf32, #tpu.memory_space<vmem>> -> memref<128x32xf32, #tpu.memory_space<vmem>>
      %dma_start3A_46 = arith.constant 512 : i32
      %dma_start3A_47 = tpu.memref_slice %arg5[%dma_start3A_46] : memref<1280xi32, #tpu.memory_space<vmem>> -> memref<128xi32, #tpu.memory_space<vmem>>
      %dma_start3A_48 = arith.constant 0 : i32
      %dma_start3A_49 = arith.constant 0 : i32
      %dma_start3A_50 = tpu.memref_slice %arg3[%dma_start3A_48, %dma_start3A_49] : memref<1000000x32xf32, #tpu.memory_space<hbm>> -> memref<1000000x32xf32, #tpu.memory_space<hbm>>
      tpu.enqueue_indirect_dma source(%dma_start3A_50 : memref<1000000x32xf32, #tpu.memory_space<hbm>>) target(%dma_start3A_45 : memref<128x32xf32, #tpu.memory_space<vmem>>) offsets(%dma_start3A_47 : memref<128xi32, #tpu.memory_space<vmem>>) semaphore(%arg7 : memref<!tpu.dma_semaphore, #tpu.memory_space<semaphore_mem>>)
      %dma_start3A_51 = arith.constant 640 : i32
      %dma_start3A_52 = arith.constant 0 : i32
      %dma_start3A_53 = tpu.memref_slice %arg6[%dma_start3A_51, %dma_start3A_52] : memref<1280x32xf32, #tpu.memory_space<vmem>> -> memref<128x32xf32, #tpu.memory_space<vmem>>
      %dma_start3A_54 = arith.constant 640 : i32
      %dma_start3A_55 = tpu.memref_slice %arg5[%dma_start3A_54] : memref<1280xi32, #tpu.memory_space<vmem>> -> memref<128xi32, #tpu.memory_space<vmem>>
      %dma_start3A_56 = arith.constant 0 : i32
      %dma_start3A_57 = arith.constant 0 : i32
      %dma_start3A_58 = tpu.memref_slice %arg3[%dma_start3A_56, %dma_start3A_57] : memref<1000000x32xf32, #tpu.memory_space<hbm>> -> memref<1000000x32xf32, #tpu.memory_space<hbm>>
      tpu.enqueue_indirect_dma source(%dma_start3A_58 : memref<1000000x32xf32, #tpu.memory_space<hbm>>) target(%dma_start3A_53 : memref<128x32xf32, #tpu.memory_space<vmem>>) offsets(%dma_start3A_55 : memref<128xi32, #tpu.memory_space<vmem>>) semaphore(%arg7 : memref<!tpu.dma_semaphore, #tpu.memory_space<semaphore_mem>>)
      %dma_start3A_59 = arith.constant 768 : i32
      %dma_start3A_60 = arith.constant 0 : i32
      %dma_start3A_61 = tpu.memref_slice %arg6[%dma_start3A_59, %dma_start3A_60] : memref<1280x32xf32, #tpu.memory_space<vmem>> -> memref<128x32xf32, #tpu.memory_space<vmem>>
      %dma_start3A_62 = arith.constant 768 : i32
      %dma_start3A_63 = tpu.memref_slice %arg5[%dma_start3A_62] : memref<1280xi32, #tpu.memory_space<vmem>> -> memref<128xi32, #tpu.memory_space<vmem>>
      %dma_start3A_64 = arith.constant 0 : i32
      %dma_start3A_65 = arith.constant 0 : i32
      %dma_start3A_66 = tpu.memref_slice %arg3[%dma_start3A_64, %dma_start3A_65] : memref<1000000x32xf32, #tpu.memory_space<hbm>> -> memref<1000000x32xf32, #tpu.memory_space<hbm>>
      tpu.enqueue_indirect_dma source(%dma_start3A_66 : memref<1000000x32xf32, #tpu.memory_space<hbm>>) target(%dma_start3A_61 : memref<128x32xf32, #tpu.memory_space<vmem>>) offsets(%dma_start3A_63 : memref<128xi32, #tpu.memory_space<vmem>>) semaphore(%arg7 : memref<!tpu.dma_semaphore, #tpu.memory_space<semaphore_mem>>)
      %dma_start3A_67 = arith.constant 896 : i32
      %dma_start3A_68 = arith.constant 0 : i32
      %dma_start3A_69 = tpu.memref_slice %arg6[%dma_start3A_67, %dma_start3A_68] : memref<1280x32xf32, #tpu.memory_space<vmem>> -> memref<128x32xf32, #tpu.memory_space<vmem>>
      %dma_start3A_70 = arith.constant 896 : i32
      %dma_start3A_71 = tpu.memref_slice %arg5[%dma_start3A_70] : memref<1280xi32, #tpu.memory_space<vmem>> -> memref<128xi32, #tpu.memory_space<vmem>>
      %dma_start3A_72 = arith.constant 0 : i32
      %dma_start3A_73 = arith.constant 0 : i32
      %dma_start3A_74 = tpu.memref_slice %arg3[%dma_start3A_72, %dma_start3A_73] : memref<1000000x32xf32, #tpu.memory_space<hbm>> -> memref<1000000x32xf32, #tpu.memory_space<hbm>>
      tpu.enqueue_indirect_dma source(%dma_start3A_74 : memref<1000000x32xf32, #tpu.memory_space<hbm>>) target(%dma_start3A_69 : memref<128x32xf32, #tpu.memory_space<vmem>>) offsets(%dma_start3A_71 : memref<128xi32, #tpu.memory_space<vmem>>) semaphore(%arg7 : memref<!tpu.dma_semaphore, #tpu.memory_space<semaphore_mem>>)
      %dma_start3A_75 = arith.constant 1024 : i32
      %dma_start3A_76 = arith.constant 0 : i32
      %dma_start3A_77 = tpu.memref_slice %arg6[%dma_start3A_75, %dma_start3A_76] : memref<1280x32xf32, #tpu.memory_space<vmem>> -> memref<128x32xf32, #tpu.memory_space<vmem>>
      %dma_start3A_78 = arith.constant 1024 : i32
      %dma_start3A_79 = tpu.memref_slice %arg5[%dma_start3A_78] : memref<1280xi32, #tpu.memory_space<vmem>> -> memref<128xi32, #tpu.memory_space<vmem>>
      %dma_start3A_80 = arith.constant 0 : i32
      %dma_start3A_81 = arith.constant 0 : i32
      %dma_start3A_82 = tpu.memref_slice %arg3[%dma_start3A_80, %dma_start3A_81] : memref<1000000x32xf32, #tpu.memory_space<hbm>> -> memref<1000000x32xf32, #tpu.memory_space<hbm>>
      tpu.enqueue_indirect_dma source(%dma_start3A_82 : memref<1000000x32xf32, #tpu.memory_space<hbm>>) target(%dma_start3A_77 : memref<128x32xf32, #tpu.memory_space<vmem>>) offsets(%dma_start3A_79 : memref<128xi32, #tpu.memory_space<vmem>>) semaphore(%arg7 : memref<!tpu.dma_semaphore, #tpu.memory_space<semaphore_mem>>)
      %dma_start3A_83 = arith.constant 1152 : i32
      %dma_start3A_84 = arith.constant 0 : i32
      %dma_start3A_85 = tpu.memref_slice %arg6[%dma_start3A_83, %dma_start3A_84] : memref<1280x32xf32, #tpu.memory_space<vmem>> -> memref<128x32xf32, #tpu.memory_space<vmem>>
      %dma_start3A_86 = arith.constant 1152 : i32
      %dma_start3A_87 = tpu.memref_slice %arg5[%dma_start3A_86] : memref<1280xi32, #tpu.memory_space<vmem>> -> memref<128xi32, #tpu.memory_space<vmem>>
      %dma_start3A_88 = arith.constant 0 : i32
      %dma_start3A_89 = arith.constant 0 : i32
      %dma_start3A_90 = tpu.memref_slice %arg3[%dma_start3A_88, %dma_start3A_89] : memref<1000000x32xf32, #tpu.memory_space<hbm>> -> memref<1000000x32xf32, #tpu.memory_space<hbm>>
      tpu.enqueue_indirect_dma source(%dma_start3A_90 : memref<1000000x32xf32, #tpu.memory_space<hbm>>) target(%dma_start3A_85 : memref<128x32xf32, #tpu.memory_space<vmem>>) offsets(%dma_start3A_87 : memref<128xi32, #tpu.memory_space<vmem>>) semaphore(%arg7 : memref<!tpu.dma_semaphore, #tpu.memory_space<semaphore_mem>>)
      %dma_wait3A = arith.constant 0 : i32
      %dma_wait3A_91 = arith.constant 0 : i32
      %dma_wait3A_92 = tpu.memref_slice %arg6[%dma_wait3A, %dma_wait3A_91] : memref<1280x32xf32, #tpu.memory_space<vmem>> -> memref<128x32xf32, #tpu.memory_space<vmem>>
      %dma_wait3A_93 = arith.constant 0 : i32
      %dma_wait3A_94 = tpu.memref_slice %arg5[%dma_wait3A_93] : memref<1280xi32, #tpu.memory_space<vmem>> -> memref<128xi32, #tpu.memory_space<vmem>>
      %dma_wait3A_95 = arith.constant 0 : i32
      %dma_wait3A_96 = arith.constant 0 : i32
      %dma_wait3A_97 = tpu.memref_slice %arg3[%dma_wait3A_95, %dma_wait3A_96] : memref<1000000x32xf32, #tpu.memory_space<hbm>> -> memref<1000000x32xf32, #tpu.memory_space<hbm>>
      tpu.wait_indirect_dma semaphore(%arg7 : memref<!tpu.dma_semaphore, #tpu.memory_space<semaphore_mem>>) src(%dma_wait3A_97 : memref<1000000x32xf32, #tpu.memory_space<hbm>>) dst(%dma_wait3A_92 : memref<128x32xf32, #tpu.memory_space<vmem>>)
      %dma_wait3A_98 = arith.constant 128 : i32
      %dma_wait3A_99 = arith.constant 0 : i32
      %dma_wait3A_100 = tpu.memref_slice %arg6[%dma_wait3A_98, %dma_wait3A_99] : memref<1280x32xf32, #tpu.memory_space<vmem>> -> memref<128x32xf32, #tpu.memory_space<vmem>>
      %dma_wait3A_101 = arith.constant 128 : i32
      %dma_wait3A_102 = tpu.memref_slice %arg5[%dma_wait3A_101] : memref<1280xi32, #tpu.memory_space<vmem>> -> memref<128xi32, #tpu.memory_space<vmem>>
      %dma_wait3A_103 = arith.constant 0 : i32
      %dma_wait3A_104 = arith.constant 0 : i32
      %dma_wait3A_105 = tpu.memref_slice %arg3[%dma_wait3A_103, %dma_wait3A_104] : memref<1000000x32xf32, #tpu.memory_space<hbm>> -> memref<1000000x32xf32, #tpu.memory_space<hbm>>
      tpu.wait_indirect_dma semaphore(%arg7 : memref<!tpu.dma_semaphore, #tpu.memory_space<semaphore_mem>>) src(%dma_wait3A_105 : memref<1000000x32xf32, #tpu.memory_space<hbm>>) dst(%dma_wait3A_100 : memref<128x32xf32, #tpu.memory_space<vmem>>)
      %dma_wait3A_106 = arith.constant 256 : i32
      %dma_wait3A_107 = arith.constant 0 : i32
      %dma_wait3A_108 = tpu.memref_slice %arg6[%dma_wait3A_106, %dma_wait3A_107] : memref<1280x32xf32, #tpu.memory_space<vmem>> -> memref<128x32xf32, #tpu.memory_space<vmem>>
      %dma_wait3A_109 = arith.constant 256 : i32
      %dma_wait3A_110 = tpu.memref_slice %arg5[%dma_wait3A_109] : memref<1280xi32, #tpu.memory_space<vmem>> -> memref<128xi32, #tpu.memory_space<vmem>>
      %dma_wait3A_111 = arith.constant 0 : i32
      %dma_wait3A_112 = arith.constant 0 : i32
      %dma_wait3A_113 = tpu.memref_slice %arg3[%dma_wait3A_111, %dma_wait3A_112] : memref<1000000x32xf32, #tpu.memory_space<hbm>> -> memref<1000000x32xf32, #tpu.memory_space<hbm>>
      tpu.wait_indirect_dma semaphore(%arg7 : memref<!tpu.dma_semaphore, #tpu.memory_space<semaphore_mem>>) src(%dma_wait3A_113 : memref<1000000x32xf32, #tpu.memory_space<hbm>>) dst(%dma_wait3A_108 : memref<128x32xf32, #tpu.memory_space<vmem>>)
      %dma_wait3A_114 = arith.constant 384 : i32
      %dma_wait3A_115 = arith.constant 0 : i32
      %dma_wait3A_116 = tpu.memref_slice %arg6[%dma_wait3A_114, %dma_wait3A_115] : memref<1280x32xf32, #tpu.memory_space<vmem>> -> memref<128x32xf32, #tpu.memory_space<vmem>>
      %dma_wait3A_117 = arith.constant 384 : i32
      %dma_wait3A_118 = tpu.memref_slice %arg5[%dma_wait3A_117] : memref<1280xi32, #tpu.memory_space<vmem>> -> memref<128xi32, #tpu.memory_space<vmem>>
      %dma_wait3A_119 = arith.constant 0 : i32
      %dma_wait3A_120 = arith.constant 0 : i32
      %dma_wait3A_121 = tpu.memref_slice %arg3[%dma_wait3A_119, %dma_wait3A_120] : memref<1000000x32xf32, #tpu.memory_space<hbm>> -> memref<1000000x32xf32, #tpu.memory_space<hbm>>
      tpu.wait_indirect_dma semaphore(%arg7 : memref<!tpu.dma_semaphore, #tpu.memory_space<semaphore_mem>>) src(%dma_wait3A_121 : memref<1000000x32xf32, #tpu.memory_space<hbm>>) dst(%dma_wait3A_116 : memref<128x32xf32, #tpu.memory_space<vmem>>)
      %dma_wait3A_122 = arith.constant 512 : i32
      %dma_wait3A_123 = arith.constant 0 : i32
      %dma_wait3A_124 = tpu.memref_slice %arg6[%dma_wait3A_122, %dma_wait3A_123] : memref<1280x32xf32, #tpu.memory_space<vmem>> -> memref<128x32xf32, #tpu.memory_space<vmem>>
      %dma_wait3A_125 = arith.constant 512 : i32
      %dma_wait3A_126 = tpu.memref_slice %arg5[%dma_wait3A_125] : memref<1280xi32, #tpu.memory_space<vmem>> -> memref<128xi32, #tpu.memory_space<vmem>>
      %dma_wait3A_127 = arith.constant 0 : i32
      %dma_wait3A_128 = arith.constant 0 : i32
      %dma_wait3A_129 = tpu.memref_slice %arg3[%dma_wait3A_127, %dma_wait3A_128] : memref<1000000x32xf32, #tpu.memory_space<hbm>> -> memref<1000000x32xf32, #tpu.memory_space<hbm>>
      tpu.wait_indirect_dma semaphore(%arg7 : memref<!tpu.dma_semaphore, #tpu.memory_space<semaphore_mem>>) src(%dma_wait3A_129 : memref<1000000x32xf32, #tpu.memory_space<hbm>>) dst(%dma_wait3A_124 : memref<128x32xf32, #tpu.memory_space<vmem>>)
      %dma_wait3A_130 = arith.constant 640 : i32
      %dma_wait3A_131 = arith.constant 0 : i32
      %dma_wait3A_132 = tpu.memref_slice %arg6[%dma_wait3A_130, %dma_wait3A_131] : memref<1280x32xf32, #tpu.memory_space<vmem>> -> memref<128x32xf32, #tpu.memory_space<vmem>>
      %dma_wait3A_133 = arith.constant 640 : i32
      %dma_wait3A_134 = tpu.memref_slice %arg5[%dma_wait3A_133] : memref<1280xi32, #tpu.memory_space<vmem>> -> memref<128xi32, #tpu.memory_space<vmem>>
      %dma_wait3A_135 = arith.constant 0 : i32
      %dma_wait3A_136 = arith.constant 0 : i32
      %dma_wait3A_137 = tpu.memref_slice %arg3[%dma_wait3A_135, %dma_wait3A_136] : memref<1000000x32xf32, #tpu.memory_space<hbm>> -> memref<1000000x32xf32, #tpu.memory_space<hbm>>
      tpu.wait_indirect_dma semaphore(%arg7 : memref<!tpu.dma_semaphore, #tpu.memory_space<semaphore_mem>>) src(%dma_wait3A_137 : memref<1000000x32xf32, #tpu.memory_space<hbm>>) dst(%dma_wait3A_132 : memref<128x32xf32, #tpu.memory_space<vmem>>)
      %dma_wait3A_138 = arith.constant 768 : i32
      %dma_wait3A_139 = arith.constant 0 : i32
      %dma_wait3A_140 = tpu.memref_slice %arg6[%dma_wait3A_138, %dma_wait3A_139] : memref<1280x32xf32, #tpu.memory_space<vmem>> -> memref<128x32xf32, #tpu.memory_space<vmem>>
      %dma_wait3A_141 = arith.constant 768 : i32
      %dma_wait3A_142 = tpu.memref_slice %arg5[%dma_wait3A_141] : memref<1280xi32, #tpu.memory_space<vmem>> -> memref<128xi32, #tpu.memory_space<vmem>>
      %dma_wait3A_143 = arith.constant 0 : i32
      %dma_wait3A_144 = arith.constant 0 : i32
      %dma_wait3A_145 = tpu.memref_slice %arg3[%dma_wait3A_143, %dma_wait3A_144] : memref<1000000x32xf32, #tpu.memory_space<hbm>> -> memref<1000000x32xf32, #tpu.memory_space<hbm>>
      tpu.wait_indirect_dma semaphore(%arg7 : memref<!tpu.dma_semaphore, #tpu.memory_space<semaphore_mem>>) src(%dma_wait3A_145 : memref<1000000x32xf32, #tpu.memory_space<hbm>>) dst(%dma_wait3A_140 : memref<128x32xf32, #tpu.memory_space<vmem>>)
      %dma_wait3A_146 = arith.constant 896 : i32
      %dma_wait3A_147 = arith.constant 0 : i32
      %dma_wait3A_148 = tpu.memref_slice %arg6[%dma_wait3A_146, %dma_wait3A_147] : memref<1280x32xf32, #tpu.memory_space<vmem>> -> memref<128x32xf32, #tpu.memory_space<vmem>>
      %dma_wait3A_149 = arith.constant 896 : i32
      %dma_wait3A_150 = tpu.memref_slice %arg5[%dma_wait3A_149] : memref<1280xi32, #tpu.memory_space<vmem>> -> memref<128xi32, #tpu.memory_space<vmem>>
      %dma_wait3A_151 = arith.constant 0 : i32
      %dma_wait3A_152 = arith.constant 0 : i32
      %dma_wait3A_153 = tpu.memref_slice %arg3[%dma_wait3A_151, %dma_wait3A_152] : memref<1000000x32xf32, #tpu.memory_space<hbm>> -> memref<1000000x32xf32, #tpu.memory_space<hbm>>
      tpu.wait_indirect_dma semaphore(%arg7 : memref<!tpu.dma_semaphore, #tpu.memory_space<semaphore_mem>>) src(%dma_wait3A_153 : memref<1000000x32xf32, #tpu.memory_space<hbm>>) dst(%dma_wait3A_148 : memref<128x32xf32, #tpu.memory_space<vmem>>)
      %dma_wait3A_154 = arith.constant 1024 : i32
      %dma_wait3A_155 = arith.constant 0 : i32
      %dma_wait3A_156 = tpu.memref_slice %arg6[%dma_wait3A_154, %dma_wait3A_155] : memref<1280x32xf32, #tpu.memory_space<vmem>> -> memref<128x32xf32, #tpu.memory_space<vmem>>
      %dma_wait3A_157 = arith.constant 1024 : i32
      %dma_wait3A_158 = tpu.memref_slice %arg5[%dma_wait3A_157] : memref<1280xi32, #tpu.memory_space<vmem>> -> memref<128xi32, #tpu.memory_space<vmem>>
      %dma_wait3A_159 = arith.constant 0 : i32
      %dma_wait3A_160 = arith.constant 0 : i32
      %dma_wait3A_161 = tpu.memref_slice %arg3[%dma_wait3A_159, %dma_wait3A_160] : memref<1000000x32xf32, #tpu.memory_space<hbm>> -> memref<1000000x32xf32, #tpu.memory_space<hbm>>
      tpu.wait_indirect_dma semaphore(%arg7 : memref<!tpu.dma_semaphore, #tpu.memory_space<semaphore_mem>>) src(%dma_wait3A_161 : memref<1000000x32xf32, #tpu.memory_space<hbm>>) dst(%dma_wait3A_156 : memref<128x32xf32, #tpu.memory_space<vmem>>)
      %dma_wait3A_162 = arith.constant 1152 : i32
      %dma_wait3A_163 = arith.constant 0 : i32
      %dma_wait3A_164 = tpu.memref_slice %arg6[%dma_wait3A_162, %dma_wait3A_163] : memref<1280x32xf32, #tpu.memory_space<vmem>> -> memref<128x32xf32, #tpu.memory_space<vmem>>
      %dma_wait3A_165 = arith.constant 1152 : i32
      %dma_wait3A_166 = tpu.memref_slice %arg5[%dma_wait3A_165] : memref<1280xi32, #tpu.memory_space<vmem>> -> memref<128xi32, #tpu.memory_space<vmem>>
      %dma_wait3A_167 = arith.constant 0 : i32
      %dma_wait3A_168 = arith.constant 0 : i32
      %dma_wait3A_169 = tpu.memref_slice %arg3[%dma_wait3A_167, %dma_wait3A_168] : memref<1000000x32xf32, #tpu.memory_space<hbm>> -> memref<1000000x32xf32, #tpu.memory_space<hbm>>
      tpu.wait_indirect_dma semaphore(%arg7 : memref<!tpu.dma_semaphore, #tpu.memory_space<semaphore_mem>>) src(%dma_wait3A_169 : memref<1000000x32xf32, #tpu.memory_space<hbm>>) dst(%dma_wait3A_164 : memref<128x32xf32, #tpu.memory_space<vmem>>)
      "tpu.region"() ({
        %run_scoped3A = tpu.sem_alloc : memref<!tpu.dma_semaphore, #tpu.memory_space<semaphore_mem>>
        %dma_start3A_170 = arith.constant 0 : i32
        %dma_start3A_171 = tpu.memref_slice %arg4[%add3A_11, %dma_start3A_170] : memref<409600x32xf32, #tpu.memory_space<hbm>> -> memref<1280x32xf32, #tpu.memory_space<hbm>>
        %dma_start3A_172 = arith.constant 0 : i32
        %dma_start3A_173 = tpu.memref_slice %arg4[%add3A_11, %dma_start3A_172] : memref<409600x32xf32, #tpu.memory_space<hbm>> -> memref<1280x32xf32, #tpu.memory_space<hbm>>
        tpu.enqueue_dma source(%arg6 : memref<1280x32xf32, #tpu.memory_space<vmem>>) target(%dma_start3A_173 : memref<1280x32xf32, #tpu.memory_space<hbm>>) target_semaphore(%run_scoped3A : memref<!tpu.dma_semaphore, #tpu.memory_space<semaphore_mem>>)
        %dma_wait3A_174 = arith.constant 0 : i32
        %dma_wait3A_175 = tpu.memref_slice %arg4[%add3A_11, %dma_wait3A_174] : memref<409600x32xf32, #tpu.memory_space<hbm>> -> memref<1280x32xf32, #tpu.memory_space<hbm>>
        %dma_wait3A_176 = arith.constant 0 : i32
        %dma_wait3A_177 = tpu.memref_slice %arg4[%add3A_11, %dma_wait3A_176] : memref<409600x32xf32, #tpu.memory_space<hbm>> -> memref<1280x32xf32, #tpu.memory_space<hbm>>
        tpu.wait_dma2 semaphore(%run_scoped3A : memref<!tpu.dma_semaphore, #tpu.memory_space<semaphore_mem>>) src(%arg6 : memref<1280x32xf32, #tpu.memory_space<vmem>>) dst(%dma_wait3A_177 : memref<1280x32xf32, #tpu.memory_space<hbm>>)
        tpu.yield
      }) : () -> ()
    }
    %scan3A_7 = arith.constant 10 : i32
    return
  }
}

module attributes {stable_mosaic.version = 14 : i64} {
  func.func @_hash_body(%arg0: memref<6400x128xi32, #tpu.memory_space<vmem>>, %arg1: memref<6400x128xi32, #tpu.memory_space<vmem>>, %arg2: memref<6400x128xi32, #tpu.memory_space<vmem>>) attributes {dimension_semantics = [], scalar_prefetch = 0 : i64, scratch_operands = 0 : i64, tpu.core_type = #tpu.core_type<tc>} {
    %get3A = arith.constant 0 : index
    %get3A_0 = arith.constant 0 : index
    %get3A_1 = vector.load %arg0[%get3A, %get3A_0] : memref<6400x128xi32, #tpu.memory_space<vmem>>, vector<6400x128xi32>
    %get3A_2 = arith.constant 0 : index
    %get3A_3 = arith.constant 0 : index
    %get3A_4 = vector.load %arg1[%get3A_2, %get3A_3] : memref<6400x128xi32, #tpu.memory_space<vmem>>, vector<6400x128xi32>
    %jit3A = arith.constant 1000000 : i32
    %eq3A = arith.constant 0 : i32
    %eq3A_5 = arith.cmpi eq, %jit3A, %eq3A : i32
    %jit3A_6 = arith.constant 1 : i32
    %select_n3A = arith.select %eq3A_5, %jit3A_6, %jit3A : i32
    %rem3A = vector.broadcast %select_n3A : i32 to vector<6400x128xi32>
    %rem3A_7 = arith.remui %get3A_1, %rem3A : vector<6400x128xi32>
    %ne3A = arith.constant 0 : i32
    %ne3A_8 = vector.broadcast %ne3A : i32 to vector<6400x128xi32>
    %ne3A_9 = arith.cmpi ne, %rem3A_7, %ne3A_8 : vector<6400x128xi32>
    %lt3A = arith.constant 0 : i32
    %lt3A_10 = vector.broadcast %lt3A : i32 to vector<6400x128xi32>
    %lt3A_11 = arith.cmpi ult, %rem3A_7, %lt3A_10 : vector<6400x128xi32>
    %lt3A_12 = arith.constant 0 : i32
    %lt3A_13 = arith.cmpi ult, %select_n3A, %lt3A_12 : i32
    %ne3A_14 = vector.broadcast %lt3A_13 : i1 to vector<6400x128xi1>
    %ne3A_15 = vector.broadcast %ne3A_14 : vector<6400x128xi1> to vector<6400x128xi1>
    %ne3A_16 = arith.xori %lt3A_11, %ne3A_15 : vector<6400x128xi1>
    %and3A = arith.andi %ne3A_16, %ne3A_9 : vector<6400x128xi1>
    %add3A = vector.broadcast %select_n3A : i32 to vector<6400x128xi32>
    %add3A_17 = arith.addi %rem3A_7, %add3A : vector<6400x128xi32>
    %select_n3A_18 = arith.select %and3A, %add3A_17, %rem3A_7 : vector<6400x128xi1>, vector<6400x128xi32>
    %mul3A = arith.constant 8000 : i32
    %mul3A_19 = vector.broadcast %mul3A : i32 to vector<6400x128xi32>
    %mul3A_20 = arith.muli %select_n3A_18, %mul3A_19 : vector<6400x128xi32>
    %jit3A_21 = arith.constant 1000000 : i32
    %eq3A_22 = arith.constant 0 : i32
    %eq3A_23 = arith.cmpi eq, %jit3A_21, %eq3A_22 : i32
    %jit3A_24 = arith.constant 1 : i32
    %select_n3A_25 = arith.select %eq3A_23, %jit3A_24, %jit3A_21 : i32
    %rem3A_26 = vector.broadcast %select_n3A_25 : i32 to vector<6400x128xi32>
    %rem3A_27 = arith.remui %mul3A_20, %rem3A_26 : vector<6400x128xi32>
    %ne3A_28 = arith.constant 0 : i32
    %ne3A_29 = vector.broadcast %ne3A_28 : i32 to vector<6400x128xi32>
    %ne3A_30 = arith.cmpi ne, %rem3A_27, %ne3A_29 : vector<6400x128xi32>
    %lt3A_31 = arith.constant 0 : i32
    %lt3A_32 = vector.broadcast %lt3A_31 : i32 to vector<6400x128xi32>
    %lt3A_33 = arith.cmpi ult, %rem3A_27, %lt3A_32 : vector<6400x128xi32>
    %lt3A_34 = arith.constant 0 : i32
    %lt3A_35 = arith.cmpi ult, %select_n3A_25, %lt3A_34 : i32
    %ne3A_36 = vector.broadcast %lt3A_35 : i1 to vector<6400x128xi1>
    %ne3A_37 = vector.broadcast %ne3A_36 : vector<6400x128xi1> to vector<6400x128xi1>
    %ne3A_38 = arith.xori %lt3A_33, %ne3A_37 : vector<6400x128xi1>
    %and3A_39 = arith.andi %ne3A_38, %ne3A_30 : vector<6400x128xi1>
    %add3A_40 = vector.broadcast %select_n3A_25 : i32 to vector<6400x128xi32>
    %add3A_41 = arith.addi %rem3A_27, %add3A_40 : vector<6400x128xi32>
    %select_n3A_42 = arith.select %and3A_39, %add3A_41, %rem3A_27 : vector<6400x128xi1>, vector<6400x128xi32>
    %jit3A_43 = arith.constant 1000000 : i32
    %eq3A_44 = arith.constant 0 : i32
    %eq3A_45 = arith.cmpi eq, %jit3A_43, %eq3A_44 : i32
    %jit3A_46 = arith.constant 1 : i32
    %select_n3A_47 = arith.select %eq3A_45, %jit3A_46, %jit3A_43 : i32
    %rem3A_48 = vector.broadcast %select_n3A_47 : i32 to vector<6400x128xi32>
    %rem3A_49 = arith.remui %get3A_1, %rem3A_48 : vector<6400x128xi32>
    %ne3A_50 = arith.constant 0 : i32
    %ne3A_51 = vector.broadcast %ne3A_50 : i32 to vector<6400x128xi32>
    %ne3A_52 = arith.cmpi ne, %rem3A_49, %ne3A_51 : vector<6400x128xi32>
    %lt3A_53 = arith.constant 0 : i32
    %lt3A_54 = vector.broadcast %lt3A_53 : i32 to vector<6400x128xi32>
    %lt3A_55 = arith.cmpi ult, %rem3A_49, %lt3A_54 : vector<6400x128xi32>
    %lt3A_56 = arith.constant 0 : i32
    %lt3A_57 = arith.cmpi ult, %select_n3A_47, %lt3A_56 : i32
    %ne3A_58 = vector.broadcast %lt3A_57 : i1 to vector<6400x128xi1>
    %ne3A_59 = vector.broadcast %ne3A_58 : vector<6400x128xi1> to vector<6400x128xi1>
    %ne3A_60 = arith.xori %lt3A_55, %ne3A_59 : vector<6400x128xi1>
    %and3A_61 = arith.andi %ne3A_60, %ne3A_52 : vector<6400x128xi1>
    %add3A_62 = vector.broadcast %select_n3A_47 : i32 to vector<6400x128xi32>
    %add3A_63 = arith.addi %rem3A_49, %add3A_62 : vector<6400x128xi32>
    %select_n3A_64 = arith.select %and3A_61, %add3A_63, %rem3A_49 : vector<6400x128xi1>, vector<6400x128xi32>
    %mul3A_65 = arith.constant 191 : i32
    %mul3A_66 = vector.broadcast %mul3A_65 : i32 to vector<6400x128xi32>
    %mul3A_67 = arith.muli %select_n3A_64, %mul3A_66 : vector<6400x128xi32>
    %jit3A_68 = arith.constant 1000000 : i32
    %eq3A_69 = arith.constant 0 : i32
    %eq3A_70 = arith.cmpi eq, %jit3A_68, %eq3A_69 : i32
    %jit3A_71 = arith.constant 1 : i32
    %select_n3A_72 = arith.select %eq3A_70, %jit3A_71, %jit3A_68 : i32
    %rem3A_73 = vector.broadcast %select_n3A_72 : i32 to vector<6400x128xi32>
    %rem3A_74 = arith.remui %mul3A_67, %rem3A_73 : vector<6400x128xi32>
    %ne3A_75 = arith.constant 0 : i32
    %ne3A_76 = vector.broadcast %ne3A_75 : i32 to vector<6400x128xi32>
    %ne3A_77 = arith.cmpi ne, %rem3A_74, %ne3A_76 : vector<6400x128xi32>
    %lt3A_78 = arith.constant 0 : i32
    %lt3A_79 = vector.broadcast %lt3A_78 : i32 to vector<6400x128xi32>
    %lt3A_80 = arith.cmpi ult, %rem3A_74, %lt3A_79 : vector<6400x128xi32>
    %lt3A_81 = arith.constant 0 : i32
    %lt3A_82 = arith.cmpi ult, %select_n3A_72, %lt3A_81 : i32
    %ne3A_83 = vector.broadcast %lt3A_82 : i1 to vector<6400x128xi1>
    %ne3A_84 = vector.broadcast %ne3A_83 : vector<6400x128xi1> to vector<6400x128xi1>
    %ne3A_85 = arith.xori %lt3A_80, %ne3A_84 : vector<6400x128xi1>
    %and3A_86 = arith.andi %ne3A_85, %ne3A_77 : vector<6400x128xi1>
    %add3A_87 = vector.broadcast %select_n3A_72 : i32 to vector<6400x128xi32>
    %add3A_88 = arith.addi %rem3A_74, %add3A_87 : vector<6400x128xi32>
    %select_n3A_89 = arith.select %and3A_86, %add3A_88, %rem3A_74 : vector<6400x128xi1>, vector<6400x128xi32>
    %add3A_90 = arith.addi %select_n3A_42, %select_n3A_89 : vector<6400x128xi32>
    %jit3A_91 = arith.constant 1000000 : i32
    %eq3A_92 = arith.constant 0 : i32
    %eq3A_93 = arith.cmpi eq, %jit3A_91, %eq3A_92 : i32
    %jit3A_94 = arith.constant 1 : i32
    %select_n3A_95 = arith.select %eq3A_93, %jit3A_94, %jit3A_91 : i32
    %rem3A_96 = vector.broadcast %select_n3A_95 : i32 to vector<6400x128xi32>
    %rem3A_97 = arith.remui %add3A_90, %rem3A_96 : vector<6400x128xi32>
    %ne3A_98 = arith.constant 0 : i32
    %ne3A_99 = vector.broadcast %ne3A_98 : i32 to vector<6400x128xi32>
    %ne3A_100 = arith.cmpi ne, %rem3A_97, %ne3A_99 : vector<6400x128xi32>
    %lt3A_101 = arith.constant 0 : i32
    %lt3A_102 = vector.broadcast %lt3A_101 : i32 to vector<6400x128xi32>
    %lt3A_103 = arith.cmpi ult, %rem3A_97, %lt3A_102 : vector<6400x128xi32>
    %lt3A_104 = arith.constant 0 : i32
    %lt3A_105 = arith.cmpi ult, %select_n3A_95, %lt3A_104 : i32
    %ne3A_106 = vector.broadcast %lt3A_105 : i1 to vector<6400x128xi1>
    %ne3A_107 = vector.broadcast %ne3A_106 : vector<6400x128xi1> to vector<6400x128xi1>
    %ne3A_108 = arith.xori %lt3A_103, %ne3A_107 : vector<6400x128xi1>
    %and3A_109 = arith.andi %ne3A_108, %ne3A_100 : vector<6400x128xi1>
    %add3A_110 = vector.broadcast %select_n3A_95 : i32 to vector<6400x128xi32>
    %add3A_111 = arith.addi %rem3A_97, %add3A_110 : vector<6400x128xi32>
    %select_n3A_112 = arith.select %and3A_109, %add3A_111, %rem3A_97 : vector<6400x128xi1>, vector<6400x128xi32>
    %jit3A_113 = arith.constant 1000000 : i32
    %eq3A_114 = arith.constant 0 : i32
    %eq3A_115 = arith.cmpi eq, %jit3A_113, %eq3A_114 : i32
    %jit3A_116 = arith.constant 1 : i32
    %select_n3A_117 = arith.select %eq3A_115, %jit3A_116, %jit3A_113 : i32
    %rem3A_118 = vector.broadcast %select_n3A_117 : i32 to vector<6400x128xi32>
    %rem3A_119 = arith.remui %get3A_4, %rem3A_118 : vector<6400x128xi32>
    %ne3A_120 = arith.constant 0 : i32
    %ne3A_121 = vector.broadcast %ne3A_120 : i32 to vector<6400x128xi32>
    %ne3A_122 = arith.cmpi ne, %rem3A_119, %ne3A_121 : vector<6400x128xi32>
    %lt3A_123 = arith.constant 0 : i32
    %lt3A_124 = vector.broadcast %lt3A_123 : i32 to vector<6400x128xi32>
    %lt3A_125 = arith.cmpi ult, %rem3A_119, %lt3A_124 : vector<6400x128xi32>
    %lt3A_126 = arith.constant 0 : i32
    %lt3A_127 = arith.cmpi ult, %select_n3A_117, %lt3A_126 : i32
    %ne3A_128 = vector.broadcast %lt3A_127 : i1 to vector<6400x128xi1>
    %ne3A_129 = vector.broadcast %ne3A_128 : vector<6400x128xi1> to vector<6400x128xi1>
    %ne3A_130 = arith.xori %lt3A_125, %ne3A_129 : vector<6400x128xi1>
    %and3A_131 = arith.andi %ne3A_130, %ne3A_122 : vector<6400x128xi1>
    %add3A_132 = vector.broadcast %select_n3A_117 : i32 to vector<6400x128xi32>
    %add3A_133 = arith.addi %rem3A_119, %add3A_132 : vector<6400x128xi32>
    %select_n3A_134 = arith.select %and3A_131, %add3A_133, %rem3A_119 : vector<6400x128xi1>, vector<6400x128xi32>
    %add3A_135 = arith.addi %select_n3A_112, %select_n3A_134 : vector<6400x128xi32>
    %jit3A_136 = arith.constant 1000000 : i32
    %eq3A_137 = arith.constant 0 : i32
    %eq3A_138 = arith.cmpi eq, %jit3A_136, %eq3A_137 : i32
    %jit3A_139 = arith.constant 1 : i32
    %select_n3A_140 = arith.select %eq3A_138, %jit3A_139, %jit3A_136 : i32
    %rem3A_141 = vector.broadcast %select_n3A_140 : i32 to vector<6400x128xi32>
    %rem3A_142 = arith.remui %add3A_135, %rem3A_141 : vector<6400x128xi32>
    %ne3A_143 = arith.constant 0 : i32
    %ne3A_144 = vector.broadcast %ne3A_143 : i32 to vector<6400x128xi32>
    %ne3A_145 = arith.cmpi ne, %rem3A_142, %ne3A_144 : vector<6400x128xi32>
    %lt3A_146 = arith.constant 0 : i32
    %lt3A_147 = vector.broadcast %lt3A_146 : i32 to vector<6400x128xi32>
    %lt3A_148 = arith.cmpi ult, %rem3A_142, %lt3A_147 : vector<6400x128xi32>
    %lt3A_149 = arith.constant 0 : i32
    %lt3A_150 = arith.cmpi ult, %select_n3A_140, %lt3A_149 : i32
    %ne3A_151 = vector.broadcast %lt3A_150 : i1 to vector<6400x128xi1>
    %ne3A_152 = vector.broadcast %ne3A_151 : vector<6400x128xi1> to vector<6400x128xi1>
    %ne3A_153 = arith.xori %lt3A_148, %ne3A_152 : vector<6400x128xi1>
    %and3A_154 = arith.andi %ne3A_153, %ne3A_145 : vector<6400x128xi1>
    %add3A_155 = vector.broadcast %select_n3A_140 : i32 to vector<6400x128xi32>
    %add3A_156 = arith.addi %rem3A_142, %add3A_155 : vector<6400x128xi32>
    %select_n3A_157 = arith.select %and3A_154, %add3A_156, %rem3A_142 : vector<6400x128xi1>, vector<6400x128xi32>
    %swap3A = arith.constant 0 : index
    %swap3A_158 = arith.constant 0 : index
    %swap3A_159 = vector.load %arg2[%swap3A, %swap3A_158] : memref<6400x128xi32, #tpu.memory_space<vmem>>, vector<6400x128xi32>
    tpu.vector_store %arg2[%swap3A, %swap3A_158], %select_n3A_157 {strides = array<i32>} : memref<6400x128xi32, #tpu.memory_space<vmem>>, vector<6400x128xi32>,
    return
  }
}

module attributes {stable_mosaic.version = 14 : i64} {
  func.func @_tr_body(%arg0: i32, %arg1: memref<32x2048xf32, #tpu.memory_space<vmem>>, %arg2: memref<512x128xf32, #tpu.memory_space<vmem>>) attributes {dimension_semantics = [#tpu.dimension_semantics<arbitrary>], iteration_bounds = array<i64: 489>, scalar_prefetch = 0 : i64, scratch_operands = 0 : i64, tpu.core_type = #tpu.core_type<tc>, window_params = [{transform_indices = @transform_0, window_bounds = array<i64: 32, 2048>}, {transform_indices = @transform_1, window_bounds = array<i64: 512, 128>}]} {
    %get3A = arith.constant 0 : index
    %get3A_0 = arith.constant 0 : index
    %get3A_1 = vector.load %arg1[%get3A, %get3A_0] : memref<32x2048xf32, #tpu.memory_space<vmem>>, vector<32x2048xf32>
    %transpose3A = tpu.transpose %get3A_1, [1, 0] : vector<32x2048xf32> -> vector<2048x32xf32>
    %reshape3A = vector.shape_cast %transpose3A : vector<2048x32xf32> to vector<512x4x32xf32>
    %slice3A = vector.extract_strided_slice %reshape3A {offsets = [0, 0, 0], sizes = [512, 1, 32], strides = [1, 1, 1]} : vector<512x4x32xf32> to vector<512x1x32xf32>
    %squeeze3A = vector.shape_cast %slice3A : vector<512x1x32xf32> to vector<512x32xf32>
    %swap3A = arith.constant 0 : index
    %swap3A_2 = arith.constant 0 : index
    %swap3A_3 = vector.load %arg2[%swap3A, %swap3A_2] : memref<512x128xf32, #tpu.memory_space<vmem>>, vector<512x32xf32>
    tpu.vector_store %arg2[%swap3A, %swap3A_2], %squeeze3A {strides = array<i32>} : memref<512x128xf32, #tpu.memory_space<vmem>>, vector<512x32xf32>,
    %slice3A_4 = vector.extract_strided_slice %reshape3A {offsets = [0, 1, 0], sizes = [512, 1, 32], strides = [1, 1, 1]} : vector<512x4x32xf32> to vector<512x1x32xf32>
    %squeeze3A_5 = vector.shape_cast %slice3A_4 : vector<512x1x32xf32> to vector<512x32xf32>
    %swap3A_6 = arith.constant 0 : index
    %swap3A_7 = arith.constant 32 : index
    %swap3A_8 = vector.load %arg2[%swap3A_6, %swap3A_7] : memref<512x128xf32, #tpu.memory_space<vmem>>, vector<512x32xf32>
    tpu.vector_store %arg2[%swap3A_6, %swap3A_7], %squeeze3A_5 {strides = array<i32>} : memref<512x128xf32, #tpu.memory_space<vmem>>, vector<512x32xf32>,
    %slice3A_9 = vector.extract_strided_slice %reshape3A {offsets = [0, 2, 0], sizes = [512, 1, 32], strides = [1, 1, 1]} : vector<512x4x32xf32> to vector<512x1x32xf32>
    %squeeze3A_10 = vector.shape_cast %slice3A_9 : vector<512x1x32xf32> to vector<512x32xf32>
    %swap3A_11 = arith.constant 0 : index
    %swap3A_12 = arith.constant 64 : index
    %swap3A_13 = vector.load %arg2[%swap3A_11, %swap3A_12] : memref<512x128xf32, #tpu.memory_space<vmem>>, vector<512x32xf32>
    tpu.vector_store %arg2[%swap3A_11, %swap3A_12], %squeeze3A_10 {strides = array<i32>} : memref<512x128xf32, #tpu.memory_space<vmem>>, vector<512x32xf32>,
    %slice3A_14 = vector.extract_strided_slice %reshape3A {offsets = [0, 3, 0], sizes = [512, 1, 32], strides = [1, 1, 1]} : vector<512x4x32xf32> to vector<512x1x32xf32>
    %squeeze3A_15 = vector.shape_cast %slice3A_14 : vector<512x1x32xf32> to vector<512x32xf32>
    %swap3A_16 = arith.constant 0 : index
    %swap3A_17 = arith.constant 96 : index
    %swap3A_18 = vector.load %arg2[%swap3A_16, %swap3A_17] : memref<512x128xf32, #tpu.memory_space<vmem>>, vector<512x32xf32>
    tpu.vector_store %arg2[%swap3A_16, %swap3A_17], %squeeze3A_15 {strides = array<i32>} : memref<512x128xf32, #tpu.memory_space<vmem>>, vector<512x32xf32>,
    return
  }
  func.func @transform_0(%arg0: i32) -> (i32, i32) {
    %c0_i32 = arith.constant 0 : i32
    %c0_i32_0 = arith.constant 0 : i32
    return %c0_i32, %arg0 : i32, i32
  }
  func.func @transform_1(%arg0: i32) -> (i32, i32) {
    %c0_i32 = arith.constant 0 : i32
    %c0_i32_0 = arith.constant 0 : i32
    return %arg0, %c0_i32 : i32, i32
  }
}

module attributes {stable_mosaic.version = 14 : i64} {
  func.func @_mm_body(%arg0: i32, %arg1: memref<4096x128xf32, #tpu.memory_space<vmem>>, %arg2: memref<128x512xf32, #tpu.memory_space<vmem>>, %arg3: memref<1x512xf32, #tpu.memory_space<vmem>>, %arg4: memref<16384x128xf32, #tpu.memory_space<vmem>>) attributes {dimension_semantics = [#tpu.dimension_semantics<arbitrary>], iteration_bounds = array<i64: 25>, scalar_prefetch = 0 : i64, scratch_operands = 0 : i64, tpu.core_type = #tpu.core_type<tc>, window_params = [{transform_indices = @transform_0, window_bounds = array<i64: 4096, 128>}, {pipeline_mode = #tpu.pipeline_mode<synchronous>, transform_indices = @transform_1, window_bounds = array<i64: 128, 512>}, {pipeline_mode = #tpu.pipeline_mode<synchronous>, transform_indices = @transform_2, window_bounds = array<i64: 1, 512>}, {transform_indices = @transform_3, window_bounds = array<i64: 16384, 128>}]} {
    %get3A = arith.constant 0 : index
    %get3A_0 = arith.constant 0 : index
    %get3A_1 = vector.load %arg1[%get3A, %get3A_0] : memref<4096x128xf32, #tpu.memory_space<vmem>>, vector<4096x128xf32>
    %get3A_2 = arith.constant 0 : index
    %get3A_3 = arith.constant 0 : index
    %get3A_4 = vector.load %arg2[%get3A_2, %get3A_3] : memref<128x512xf32, #tpu.memory_space<vmem>>, vector<128x512xf32>
    %dot_general3A = arith.constant dense<0.000000e+00> : vector<4096x512xf32>
    %dot_general3A_5 = tpu.matmul %get3A_1, %get3A_4, %dot_general3A {dimension_numbers = #tpu.dot_dimension_numbers<[1], [0], [0], [1], [0, 0, 1, 1], [], []>, transpose_lhs_hint = false} : vector<4096x128xf32>, vector<128x512xf32>, vector<4096x512xf32> -> vector<4096x512xf32>
    %get3A_6 = arith.constant 0 : index
    %get3A_7 = arith.constant 0 : index
    %get3A_8 = vector.load %arg3[%get3A_6, %get3A_7] : memref<1x512xf32, #tpu.memory_space<vmem>>, vector<1x512xf32>
    %add3A = vector.broadcast %get3A_8 : vector<1x512xf32> to vector<4096x512xf32>
    %add3A_9 = arith.addf %dot_general3A_5, %add3A : vector<4096x512xf32>
    %reshape3A = vector.shape_cast %add3A_9 : vector<4096x512xf32> to vector<16384x128xf32>
    %swap3A = arith.constant 0 : index
    %swap3A_10 = arith.constant 0 : index
    %swap3A_11 = vector.load %arg4[%swap3A, %swap3A_10] : memref<16384x128xf32, #tpu.memory_space<vmem>>, vector<16384x128xf32>
    tpu.vector_store %arg4[%swap3A, %swap3A_10], %reshape3A {strides = array<i32>} : memref<16384x128xf32, #tpu.memory_space<vmem>>, vector<16384x128xf32>,
    return
  }
  func.func @transform_0(%arg0: i32) -> (i32, i32) {
    %c0_i32 = arith.constant 0 : i32
    %c0_i32_0 = arith.constant 0 : i32
    return %arg0, %c0_i32 : i32, i32
  }
  func.func @transform_1(%arg0: i32) -> (i32, i32) {
    %c0_i32 = arith.constant 0 : i32
    %c0_i32_0 = arith.constant 0 : i32
    %c0_i32_1 = arith.constant 0 : i32
    return %c0_i32, %c0_i32_0 : i32, i32
  }
  func.func @transform_2(%arg0: i32) -> (i32, i32) {
    %c0_i32 = arith.constant 0 : i32
    %c0_i32_0 = arith.constant 0 : i32
    %c0_i32_1 = arith.constant 0 : i32
    return %c0_i32, %c0_i32_0 : i32, i32
  }
  func.func @transform_3(%arg0: i32) -> (i32, i32) {
    %c0_i32 = arith.constant 0 : i32
    %c0_i32_0 = arith.constant 0 : i32
    return %arg0, %c0_i32 : i32, i32
  }
}

module attributes {stable_mosaic.version = 14 : i64} {
  func.func @_mm_second_body(%arg0: i32, %arg1: memref<4096x128xf32, #tpu.memory_space<vmem>>, %arg2: memref<128x512xf32, #tpu.memory_space<vmem>>, %arg3: memref<1x512xf32, #tpu.memory_space<vmem>>, %arg4: memref<819200x128xf32, #tpu.memory_space<any>>, %arg5: memref<16384x128xf32, #tpu.memory_space<vmem>>) attributes {dimension_semantics = [#tpu.dimension_semantics<arbitrary>], iteration_bounds = array<i64: 25>, scalar_prefetch = 0 : i64, scratch_operands = 0 : i64, tpu.core_type = #tpu.core_type<tc>, window_params = [{transform_indices = @transform_0, window_bounds = array<i64: 4096, 128>}, {pipeline_mode = #tpu.pipeline_mode<synchronous>, transform_indices = @transform_1, window_bounds = array<i64: 128, 512>}, {pipeline_mode = #tpu.pipeline_mode<synchronous>, transform_indices = @transform_2, window_bounds = array<i64: 1, 512>}, {}, {transform_indices = @transform_4, window_bounds = array<i64: 16384, 128>}]} {
    %get3A = arith.constant 0 : index
    %get3A_0 = arith.constant 0 : index
    %get3A_1 = vector.load %arg1[%get3A, %get3A_0] : memref<4096x128xf32, #tpu.memory_space<vmem>>, vector<4096x128xf32>
    %get3A_2 = arith.constant 0 : index
    %get3A_3 = arith.constant 0 : index
    %get3A_4 = vector.load %arg2[%get3A_2, %get3A_3] : memref<128x512xf32, #tpu.memory_space<vmem>>, vector<128x512xf32>
    %dot_general3A = arith.constant dense<0.000000e+00> : vector<4096x512xf32>
    %dot_general3A_5 = tpu.matmul %get3A_1, %get3A_4, %dot_general3A {dimension_numbers = #tpu.dot_dimension_numbers<[1], [0], [0], [1], [0, 0, 1, 1], [], []>, transpose_lhs_hint = false} : vector<4096x128xf32>, vector<128x512xf32>, vector<4096x512xf32> -> vector<4096x512xf32>
    %get3A_6 = arith.constant 0 : index
    %get3A_7 = arith.constant 0 : index
    %get3A_8 = vector.load %arg3[%get3A_6, %get3A_7] : memref<1x512xf32, #tpu.memory_space<vmem>>, vector<1x512xf32>
    %add3A = vector.broadcast %get3A_8 : vector<1x512xf32> to vector<4096x512xf32>
    %add3A_9 = arith.addf %dot_general3A_5, %add3A : vector<4096x512xf32>
    %reshape3A = vector.shape_cast %add3A_9 : vector<4096x512xf32> to vector<16384x128xf32>
    %swap3A = arith.constant 0 : index
    %swap3A_10 = arith.constant 0 : index
    %swap3A_11 = vector.load %arg5[%swap3A, %swap3A_10] : memref<16384x128xf32, #tpu.memory_space<vmem>>, vector<16384x128xf32>
    tpu.vector_store %arg5[%swap3A, %swap3A_10], %reshape3A {strides = array<i32>} : memref<16384x128xf32, #tpu.memory_space<vmem>>, vector<16384x128xf32>,
    return
  }
  func.func @transform_0(%arg0: i32) -> (i32, i32) {
    %c0_i32 = arith.constant 0 : i32
    %c0_i32_0 = arith.constant 0 : i32
    return %arg0, %c0_i32 : i32, i32
  }
  func.func @transform_1(%arg0: i32) -> (i32, i32) {
    %c0_i32 = arith.constant 0 : i32
    %c0_i32_0 = arith.constant 0 : i32
    %c0_i32_1 = arith.constant 0 : i32
    return %c0_i32, %c0_i32_0 : i32, i32
  }
  func.func @transform_2(%arg0: i32) -> (i32, i32) {
    %c0_i32 = arith.constant 0 : i32
    %c0_i32_0 = arith.constant 0 : i32
    %c0_i32_1 = arith.constant 0 : i32
    return %c0_i32, %c0_i32_0 : i32, i32
  }
  func.func @transform_4(%arg0: i32) -> (i32, i32) {
    %add3A = arith.constant 25 : i32
    %add3A_0 = arith.addi %arg0, %add3A : i32
    %c0_i32 = arith.constant 0 : i32
    %c0_i32_1 = arith.constant 0 : i32
    return %add3A_0, %c0_i32 : i32, i32
  }
}

</mosaic_0001>

<sc_bundles>
// kernel: kernel.11.cloned.1.call-start
scs
__scs_entry_jumppad:
0x0: {  	(pc) =	sbr.rel $0x88, $3  }
0x1: {  	(tag) =	ssettag $0x0;
	lr =	simm.s32 $0x1  }
0x2: {  	[smem:$0x3F9D] =	sst lr;
	_ =	strace $0xD0000000  }
0x3: {  	_ = 	snop  }
0x4: {  	_ = 	snop  }
0x5: {  	_ = 	snop  }
0x6: {  	_ = 	snop  }
0x7: {  	_ = 	snop  }
__scs_overlays_trampoline_lowered:
0x8: {  	[smem:$0x3FAC] =	sst s0  }
0x9: {  	[smem:$0x3FAD] =	sst s1  }
0xa: {  	[smem:$0x3FAE] =	sst s2  }
0xb: {  	[smem:$0x3FAF] =	sst s3  }
0xc: {  	[smem:$0x3FB0] =	sst s4  }
0xd: {  	[smem:$0x3FB1] =	sst s5  }
0xe: {  	[smem:$0x3FB2] =	sst s6  }
0xf: {  	[smem:$0x3FB3] =	sst s7  }
0x10: {  	[smem:$0x3FB4] =	sst s8  }
0x11: {  	[smem:$0x3FB5] =	sst s9;
	s0 =	simm.s32 @!p0 $0x0  }
0x12: {  	s1 =	sld [smem:$0x3F9B];
	s0 =	simm.s32 @p0 $0x1  }
0x13: {  	[smem:$0x3FB6] =	sst s0;
	s0 =	simm.s32 @!p1 $0x0  }
0x14: {  	s2 =	sld [smem:$0x3F9A];
	s0 =	simm.s32 @p1 $0x1  }
0x15: {  	[smem:$0x3FB7] =	sst s0;
	s0 =	simm.s32 @!p2 $0x0  }
0x16: {  	s3 =	sld [smem:$0x3FDB];
	s0 =	simm.s32 @p2 $0x1  }
0x17: {  	s4 =	simm.s32 $0x1BF5;
	[smem:$0x3FB9] =	sst s0  }
0x18: {  	s0 =	sld [smem:$0x3F9C];
	_ =	swait.ge [sflag:s4], $0x0  }
0x19: {  	s7 =	sld [smem:$0x3F9D]  }
0x1a: {  	s8 =	sadd.s32 $0xFFFFE003, lr  }
0x1b: {  	s9 =	sadd.s32 $0xFFFFFEF7, lr;
	s5 =	simm.s32 $0xFFFFFFFF;
	p2 =	slt.u32 s8, $0xFFFFF086  }
0x1c: {  	p1 =	slt.u32 s9, $0xF7A;
	s5 =	simm.s32 @!p2 $0x0  }
0x1d: {  	s5 =	simm.s32 @p1 $0x1;
	p0 =	seq.s32 s7, s2  }
0x1e: {  	s7 =	smul.u32 @!p0 $0xF7A, s2;
	p2 =	seq.s32 @!p0 s5, $0x0  }
0x1f: {  	s9 =	smul.u32 $0xF7A, s1;
	s8 =	simm.s32 @!p0 $0x1BF5;
	p2 =	por !p2, p0  }
0x20: {  	[sflag:s8] =	ssyncset.s32 @!p0 $0xFFFFF086;
	s6 =	sadd.s32 @!p0 s3, s7;
	s7 =	simm.s32 @!p0 $0x108  }
0x21: {  	s3 =	sadd.s32 s3, s9;
	s6 =	sadd.s32 @!p0 $0x88, s6;
	s7 =	simm.s32 @p2 $0x1082  }
0x22: {  	[simem:s7], [sflag:s8] =	dma.local @!p0 [hbm:s6], $0xF7A  }
0x23: {  	s9 =	sor.u32 $0xD0000000, s2;
	s6 =	simm.s32 $0x108;
	_ =	swait.ge @!p0 [sflag:s8], $0x0  }
0x24: {  	s3 =	sadd.s32 $0x88, s3;
	s6 =	simm.s32 @!p1 $0x1082;
	[sflag:s4] =	ssyncset.s32 $0xFFFFF086  }
0x25: {  	[simem:s6], [sflag:s4] =	dma.local [hbm:s3], $0xF7A  }
0x26: {  	[smem:$0x3F9D] =	sst s1;
	(tag) =	ssettag s2;
	_ =	strace s9  }
0x27: {  	s1 =	sld [smem:$0x3FAD]  }
0x28: {  	s2 =	sld [smem:$0x3FAE]  }
0x29: {  	s4 =	sld [smem:$0x3FB0]  }
0x2a: {  	p0 =	seq.s32 s5, $0x0;
	s5 =	sld [smem:$0x3FB1]  }
0x2b: {  	s6 =	sld [smem:$0x3FB2]  }
0x2c: {  	s7 =	sld [smem:$0x3FB3]  }
0x2d: {  	s3 =	simm.s32 $0x108;
	s8 =	sld [smem:$0x3FB4]  }
0x2e: {  	s3 =	simm.s32 @!p0 $0x1082;
	s9 =	sld [smem:$0x3FB5]  }
0x2f: {  	lr =	sadd.s32 s0, s3;
	s0 =	sld [smem:$0x3FAC]  }
0x30: {  	s3 =	sld [smem:$0x3FAF]  }
0x31: {  	[smem:$0x3FB8] =	sst s10  }
0x32: {  	s10 =	sld [smem:$0x3FB6];
	_ =	sdelay $0x3  }
0x33: {  	p0 =	seq.s32 s10, $0x1;
	s10 =	sld [smem:$0x3FB8];
	_ =	sdelay $0x3  }
0x34: {  	[smem:$0x3FB8] =	sst s10  }
0x35: {  	s10 =	sld [smem:$0x3FB7];
	_ =	sdelay $0x3  }
0x36: {  	p1 =	seq.s32 s10, $0x1;
	s10 =	sld [smem:$0x3FB8];
	_ =	sdelay $0x3  }
0x37: {  	[smem:$0x3FB8] =	sst s10  }
0x38: {  	s10 =	sld [smem:$0x3FB9]  }
0x39: {  	_ = 	snop;
	(pc) =	sbr.ind lr, $3  }
0x3a: {  	_ = 	snop  }
0x3b: {  	_ = 	snop  }
0x3c: {  	p2 =	seq.s32 s10, $0x1;
	s10 =	sld [smem:$0x3FB8]  }
0x3d: {  	_ =	shalt  }
0x3e: {  	_ =	shalt  }
0x3f: {  	_ =	shalt  }
0x40: {  	_ =	shalt  }
0x41: {  	_ =	shalt  }
0x42: {  	_ =	shalt  }
0x43: {  	_ =	shalt  }
0x44: {  	_ =	shalt  }
0x45: {  	_ =	shalt  }
0x46: {  	_ =	shalt  }
0x47: {  	_ =	shalt  }
0x48: {  	_ =	shalt  }
0x49: {  	_ =	shalt  }
0x4a: {  	_ =	shalt  }
0x4b: {  	_ =	shalt  }
0x4c: {  	_ =	shalt  }
0x4d: {  	_ =	shalt  }
0x4e: {  	_ =	shalt  }
0x4f: {  	_ =	shalt  }
0x50: {  	_ =	shalt  }
0x51: {  	_ =	shalt  }
0x52: {  	_ =	shalt  }
0x53: {  	_ =	shalt  }
0x54: {  	_ =	shalt  }
0x55: {  	_ =	shalt  }
0x56: {  	_ =	shalt  }
0x57: {  	_ =	shalt  }
0x58: {  	_ =	shalt  }
0x59: {  	_ =	shalt  }
0x5a: {  	_ =	shalt  }
0x5b: {  	_ =	shalt  }
0x5c: {  	_ =	shalt  }
0x5d: {  	_ =	shalt  }
0x5e: {  	_ =	shalt  }
0x5f: {  	_ =	shalt  }
0x60: {  	_ =	shalt  }
0x61: {  	_ =	shalt  }
0x62: {  	_ =	shalt  }
0x63: {  	_ =	shalt  }
0x64: {  	_ =	shalt  }
0x65: {  	_ =	shalt  }
0x66: {  	_ =	shalt  }
0x67: {  	_ =	shalt  }
0x68: {  	_ =	shalt  }
0x69: {  	_ =	shalt  }
0x6a: {  	_ =	shalt  }
0x6b: {  	_ =	shalt  }
0x6c: {  	_ =	shalt  }
0x6d: {  	_ =	shalt  }
0x6e: {  	_ =	shalt  }
0x6f: {  	_ =	shalt  }
0x70: {  	_ =	shalt  }
0x71: {  	_ =	shalt  }
0x72: {  	_ =	shalt  }
0x73: {  	_ =	shalt  }
0x74: {  	_ =	shalt  }
0x75: {  	_ =	shalt  }
0x76: {  	_ =	shalt  }
0x77: {  	_ =	shalt  }
0x78: {  	_ =	shalt  }
0x79: {  	_ =	shalt  }
0x7a: {  	_ =	shalt  }
0x7b: {  	_ =	shalt  }
0x7c: {  	_ =	shalt  }
0x7d: {  	_ =	shalt  }
0x7e: {  	_ =	shalt  }
0x7f: {  	_ =	shalt  }
0x80: {  	_ =	shalt  }
0x81: {  	_ =	shalt  }
0x82: {  	_ =	shalt  }
0x83: {  	_ =	shalt  }
0x84: {  	_ =	shalt  }
0x85: {  	_ =	shalt  }
0x86: {  	_ =	shalt  }
0x87: {  	_ =	shalt  }
.Lfunc_end0:
.L_simem_size_0:
called_computation.1_lowered:
.L_overlay_start_0:
0x88: {  	s2 =	sld [smem:$0x3FD9]  }
0x89: {  	s3 =	sld [smem:$0x3FFE];
	_ =	sdelay $0x1  }
0x8a: {  	s1 =	srdreg.scid  }
0x8b: {  	s0 =	sand.u32 $0x1, s1  }
0x8c: {  	s17 =	sshll.u32 s0, $0xA;
	s2 =	sadd.s32 s3, s2  }
0x8d: {  	s2 =	sadd.s32 s2, s17  }
0x8e: {  	[smem:$0x3FC4] =	sst s2  }
0x8f: {  	_ = 	snop  }
0x90: {  	(tm) =	ssettm $0x1  }
0x91: {  	s18 =	sld [smem:$0x3FFB];
	_ =	sdelay $0x3  }
0x92: {  	_ =	strace s18  }
0x93: {  	s2 =	sld [smem:$0x3FFC];
	_ =	sdelay $0x3  }
0x94: {  	_ =	strace s2  }
0x95: {  	s2 =	sld [smem:$0x3FFD];
	_ =	sdelay $0x3  }
0x96: {  	_ =	strace s2  }
0x97: {  	_ =	strace $0x8FFFFFFF  }
0x98: {  	s19 =	sld [smem:$0x3FDB];
	_ =	sdelay $0x1  }
0x99: {  	s20 =	simm.s32 $_scs_section_size  }
0x9a: {  	s4 =	simm.s32 $_size__tile_overlayer_lowered;
	s5 =	simm.s32 $_tile_overlayer_lowered  }
0x9b: {  	s6 =	simm.s32 $0x1BFF;
	s21 =	sshll.u32 s5, $0x1;
	s3 =	sadd.s32 s20, s19  }
0x9c: {  	s22 =	simm.s32 $0x0;
	s4 =	sshll.u32 s4, $0x1;
	s5 =	sadd.s32 s21, s3  }
0x9d: {  	[timem:s22], [sflag:s6] =	dma.local [hbm:s5], s4  }
0x9e: {  	_ =	swait.ge [sflag:s6], s4  }
0x9f: {  	s4 =	ssub.s32 $0x0, s4;
	[sflag:s6] =	ssyncset.done $0x0  }
0xa0: {  	[sflag:s6] =	ssyncadd.s32 s4;
	_ =	sdelay $0x1  }
0xa1: {  	s23 =	simm.s32 $0x1B8B  }
0xa2: {  	_ =	swait.ge [sflag:s23], $0x1  }
0xa3: {  	[sflag:s23] =	ssyncset.done $0x0  }
0xa4: {  	[sflag:s23] =	ssyncadd.s32 $0xFFFFFFFF  }
0xa5: {  	s4 =	sld [smem:$0x0]  }
0xa6: {  	s5 =	sand.u32 $0xFFFFFFFE, s1  }
0xa7: {  	p0 =	sne.s32 s1, s5  }
0xa8: {  	s5 =	sshll.u32 @p0 s5, $0xE  }
0xa9: {  	s5 =	sadd.s32 @p0 $0x11B8D, s5;
	s6 =	sshll.u32 @p0 s4, $0x11  }
0xaa: {  	s5 =	sor.u32 @p0 s6, s5  }
0xab: {  	[sflag:s5] =	ssyncadd.remote.s32 @p0 $0x1;
	_ =	sdelay $0x1  }
0xac: {  	s5 =	simm.s32 @p0 $0x1B8D  }
0xad: {  	_ =	swait.eq @p0 [sflag:s5], $0x1  }
0xae: {  	[sflag:s5] =	ssyncadd.s32 @p0 $0xFFFFFFFF  }
0xaf: {  	s6 =	sshll.u32 @!p0 s1, $0xE  }
0xb0: {  	s6 =	sor.u32 @!p0 $0x4000, s6;
	s5 =	simm.s32 @!p0 $0x1B8D  }
0xb1: {  	s4 =	sshll.u32 @!p0 s4, $0x11;
	s6 =	sadd.s32 @!p0 $0x11B8D, s6;
	_ =	swait.eq @!p0 [sflag:s5], $0x1  }
0xb2: {  	s4 =	sor.u32 @!p0 s4, s6;
	[sflag:s5] =	ssyncadd.s32 @!p0 $0xFFFFFFFF  }
0xb3: {  	s25 =	simm.s32 $0x1B8E;
	s24 =	sld [smem:$0x3FFE];
	[sflag:s4] =	ssyncadd.remote.s32 @!p0 $0x1  }
0xb4: {  	s26 =	simm.s32 $execute0_lowered;
	[smem:$0x3FD2] =	sst s25  }
0xb5: {  	s5 =	sshll.u32 s26, $0x1;
	_ =	strace $0x80000049;
	[dreg:$0x1] =	wrdreg $0xFFFFFFFF  }
0xb6: {  	s28 =	simm.s32 $_size_execute0_lowered;
	s3 =	sadd.s32 s3, s5;
	[dreg:$0x0] =	wrdreg $0x0  }
0xb7: {  	s5 =	sshll.u32 s28, $0x1;
	[dreg:$0x2] =	wrdreg s3  }
0xb8: {  	[dreg:$0x3] =	wrdreg s5  }
0xb9: {  	[dreg:$0x4] =	wrdreg $0xC0  }
0xba: {  	_ =	task [dreg:s22], $0x5FFFF  }
0xbb: {  	[dreg:$0x1] =	wrdreg $0xFFFFFFFF  }
0xbc: {  	[dreg:$0x0] =	wrdreg $0x60  }
0xbd: {  	[dreg:$0x2] =	wrdreg s24  }
0xbe: {  	[dreg:$0x3] =	wrdreg $0xA  }
0xbf: {  	_ =	task.clear_ibuf [dreg:s22], $0x4FFFF;
	_ =	strace $0x90000049  }
0xc0: {  	s29 =	simm.s32 $0xA;
	_ =	strace $0x8000004B  }
0xc1: {  	_ =	swait.ge [sflag:s29], $0x1  }
0xc2: {  	[sflag:s29] =	ssyncadd.s32 $0xFFFFFFFF  }
0xc3: {  	_ =	strace $0x9000004B  }
0xc4: {  	_ =	sfence  }
0xc5: {  	s30 =	sld [smem:$0x0];
	_ =	sdelay $0x2  }
0xc6: {  	s31 =	sshll.u32 s1, $0xD;
	s1 =	sshrl.u32 s1, $0x2  }
0xc7: {  	s4 =	sand.u32 $0x4000, s31;
	s1 =	sadd.s32 s1, s30  }
0xc8: {  	s0 =	sor.u32 s4, s0;
	s1 =	sshll.u32 s1, $0x11  }
0xc9: {  	s0 =	sor.u32 s1, s0  }
0xca: {  	s0 =	sadd.s32 $0x8F2B, s0  }
0xcb: {  	[sflag:s0] =	ssyncadd.remote.s32 $0x1  }
0xcc: {  	_ =	sfence.sel $0xFFFF  }
0xcd: {  	[dreg:$0x0] =	wrdreg $0xFFFFFFFF;
	(pc) =	sbr.abs _section_cstart, $3  }
0xce: {  	[dreg:$0x1] =	wrdreg $0xFFFFFFFF  }
0xcf: {  	_ =	task.clear_ibuf [dreg:s22], $0x2FFFF;
	_ =	strace $0x9FFFFFFF  }
0xd0: {  	(tm) =	ssettm $0x7FFFFFFF  }
0xd1: {  	_ =	shalt  }
tec
execute0_lowered:
.L_overlay_start_1:
0x0: {  	(tag) =	ssettag $0x1  }
0x1: {  	s0 =	rddreg [dreg:$0x0]  }
0x2: {  	s1 =	srdreg.scid;
	s5 =	stileid.u32;
	s2 =	simm.s32 $0x0  }
0x3: {  	s9 =	simm.s32 $0x500;
	s10 =	simm.s32 $0x1500;
	s11 =	simm.s32 $0x100  }
0x4: {  	s12 =	simm.s32 $0x2500;
	s13 =	simm.s32 $0x180;
	s14 =	simm.s32 $0x3500  }
0x5: {  	s15 =	simm.s32 $0x200;
	s16 =	simm.s32 $0x4500;
	s17 =	simm.s32 $0x280  }
0x6: {  	s18 =	simm.s32 $0x5500;
	s19 =	simm.s32 $0x300;
	s20 =	simm.s32 $0x6500  }
0x7: {  	s21 =	simm.s32 $0x380;
	s22 =	simm.s32 $0x7500;
	s23 =	simm.s32 $0x400  }
0x8: {  	s28 =	simm.s32 $0x1;
	s29 =	simm.s32 $0x0;
	s3 =	smul.u32 $0x6400, s5  }
0x9: {  	s1 =	sand.u32 $0x1, s1;
	[smem:$0x7FF] =	sst s2;
	s24 =	smul.u32 $0x19000, s5  }
0xa: {  	s4 =	smul.u32 $0x3200, s1;
	_ =	strace $0x8000004A;
	s25 =	ssub.s32 $0x2, s1  }
0xb: {  	s1 =	smul.u32 $0xC800, s1;
	s6 =	sshrl.u32 s25, $0x1;
	s8 =	sadd.s32 s24, s0  }
0xc: {  	s24 =	simm.s32 $0x8500;
	s3 =	sadd.s32 s4, s3;
	s26 =	ssub.s32 s25, s6  }
0xd: {  	s31 =	sadd.s32 s1, s8;
	s8 =	simm.s32 $0x80;
	s25 =	simm.s32 $0x480  }
0xe: {  	s3 =	sshrl.u32 s3, $0x3;
	s30 =	smax.u32 s26, $0x1;
	s5 =	sadd.s32 $0x57AC00, s31  }
0xf: {  	s26 =	simm.s32 $0x9500;
	s7 =	sadd.s32 s3, s0;
	s3 =	sadd.s32 $0xDA00, s0  }
0x10: {  	[dreg:$0x2] =	wrdreg s30;
	s6 =	sadd.s32 $0x56E400, s7;
	s7 =	simm.s32 $0x2  }
.LBB2_1:
0x11: {  	s0 =	sadd.s32 $0x0, s6  }
0x12: {  	[tilespmem:s2], [sflag:$0x2] =	stream.linear.gather [hbm4b:s0+s2], $0x500, $0x38;
	[tilespmem:$0xA500] =	vst v63  }
0x13: {  	_ =	swait.ge [sflag:s7], $0x500  }
0x14: {  	[sflag:s7] =	ssyncset.done $0x0  }
0x15: {  	[sflag:s7] =	ssyncadd.s32 $0xFFFFFB00  }
0x16: {  	[tilespmem:s9], [sflag:$0x1] =	stream.indirect.gather [hbm4b:s3+s8], $0x20, s2, s8, $0xb8;
	[tilespmem:$0xA500] =	vst v63  }
0x17: {  	_ = 	snop  }
0x18: {  	[tilespmem:s10], [sflag:$0x1] =	stream.indirect.gather [hbm4b:s3+s8], $0x20, s8, s8, $0xb8;
	[tilespmem:$0xA500] =	vst v63  }
0x19: {  	_ = 	snop  }
0x1a: {  	[tilespmem:s12], [sflag:$0x1] =	stream.indirect.gather [hbm4b:s3+s8], $0x20, s11, s8, $0xb8;
	[tilespmem:$0xA500] =	vst v63  }
0x1b: {  	_ = 	snop  }
0x1c: {  	[tilespmem:s14], [sflag:$0x1] =	stream.indirect.gather [hbm4b:s3+s8], $0x20, s13, s8, $0xb8;
	[tilespmem:$0xA500] =	vst v63  }
0x1d: {  	_ = 	snop  }
0x1e: {  	[tilespmem:s16], [sflag:$0x1] =	stream.indirect.gather [hbm4b:s3+s8], $0x20, s15, s8, $0xb8;
	[tilespmem:$0xA500] =	vst v63  }
0x1f: {  	_ = 	snop  }
0x20: {  	[tilespmem:s18], [sflag:$0x1] =	stream.indirect.gather [hbm4b:s3+s8], $0x20, s17, s8, $0xb8;
	[tilespmem:$0xA500] =	vst v63  }
0x21: {  	_ = 	snop  }
0x22: {  	[tilespmem:s20], [sflag:$0x1] =	stream.indirect.gather [hbm4b:s3+s8], $0x20, s19, s8, $0xb8;
	[tilespmem:$0xA500] =	vst v63  }
0x23: {  	_ = 	snop  }
0x24: {  	[tilespmem:s22], [sflag:$0x1] =	stream.indirect.gather [hbm4b:s3+s8], $0x20, s21, s8, $0xb8;
	[tilespmem:$0xA500] =	vst v63  }
0x25: {  	_ = 	snop  }
0x26: {  	[tilespmem:s24], [sflag:$0x1] =	stream.indirect.gather [hbm4b:s3+s8], $0x20, s23, s8, $0xb8;
	[tilespmem:$0xA500] =	vst v63  }
0x27: {  	_ = 	snop  }
0x28: {  	[tilespmem:s26], [sflag:$0x1] =	stream.indirect.gather [hbm4b:s3+s8], $0x20, s25, s8, $0xb8;
	[tilespmem:$0xA500] =	vst v63  }
0x29: {  	_ =	swait.ge [sflag:s28], $0x1000  }
0x2a: {  	[sflag:s28] =	ssyncset.done $0x0  }
0x2b: {  	[sflag:s28] =	ssyncadd.s32 $0xFFFFF000  }
0x2c: {  	_ =	swait.ge [sflag:s28], $0x1000  }
0x2d: {  	[sflag:s28] =	ssyncset.done $0x0  }
0x2e: {  	[sflag:s28] =	ssyncadd.s32 $0xFFFFF000  }
0x2f: {  	_ =	swait.ge [sflag:s28], $0x1000  }
0x30: {  	[sflag:s28] =	ssyncset.done $0x0  }
0x31: {  	[sflag:s28] =	ssyncadd.s32 $0xFFFFF000  }
0x32: {  	_ =	swait.ge [sflag:s28], $0x1000  }
0x33: {  	[sflag:s28] =	ssyncset.done $0x0  }
0x34: {  	[sflag:s28] =	ssyncadd.s32 $0xFFFFF000  }
0x35: {  	_ =	swait.ge [sflag:s28], $0x1000  }
0x36: {  	[sflag:s28] =	ssyncset.done $0x0  }
0x37: {  	[sflag:s28] =	ssyncadd.s32 $0xFFFFF000  }
0x38: {  	_ =	swait.ge [sflag:s28], $0x1000  }
0x39: {  	[sflag:s28] =	ssyncset.done $0x0  }
0x3a: {  	[sflag:s28] =	ssyncadd.s32 $0xFFFFF000  }
0x3b: {  	_ =	swait.ge [sflag:s28], $0x1000  }
0x3c: {  	[sflag:s28] =	ssyncset.done $0x0  }
0x3d: {  	[sflag:s28] =	ssyncadd.s32 $0xFFFFF000  }
0x3e: {  	_ =	swait.ge [sflag:s28], $0x1000  }
0x3f: {  	[sflag:s28] =	ssyncset.done $0x0  }
0x40: {  	[sflag:s28] =	ssyncadd.s32 $0xFFFFF000  }
0x41: {  	_ =	swait.ge [sflag:s28], $0x1000  }
0x42: {  	[sflag:s28] =	ssyncset.done $0x0  }
0x43: {  	[sflag:s28] =	ssyncadd.s32 $0xFFFFF000  }
0x44: {  	_ =	swait.ge [sflag:s28], $0x1000  }
0x45: {  	[sflag:s28] =	ssyncset.done $0x0  }
0x46: {  	[sflag:s28] =	ssyncadd.s32 $0xFFFFF000  }
0x47: {  	[hbm4b:s5+s2] =	stream.linear.scatter [tilespmem:s9], [sflag:$0x2], $0xA000, $0x38;
	[tilespmem:$0xA500] =	vst v63  }
0x48: {  	s31 =	simm.s32 $0xA0;
	_ =	swait.ge [sflag:s7], $0xA000  }
0x49: {  	s30 =	sadd.s32 $0x1400, s5;
	s0 =	simm.s32 $0x140;
	[sflag:s7] =	ssyncset.done $0x0  }
.LBB2_2:
0x4a: {  	s4 =	sadd.s32 s31, s6  }
0x4b: {  	[sflag:s7] =	ssyncadd.s32 $0xFFFF6000;
	s31 =	smov.u32 s0;
	s1 =	sadd.s32 $0xA0, s0  }
0x4c: {  	[tilespmem:s2], [sflag:$0x2] =	stream.linear.gather [hbm4b:s4+s2], $0x500, $0x38;
	[tilespmem:$0xA500] =	vst v63  }
0x4d: {  	p0 =	sne.s32 s0, $0x5A0;
	_ =	swait.ge [sflag:s7], $0x500  }
0x4e: {  	[sflag:s7] =	ssyncset.done $0x0  }
0x4f: {  	[sflag:s7] =	ssyncadd.s32 $0xFFFFFB00  }
0x50: {  	[tilespmem:s9], [sflag:$0x1] =	stream.indirect.gather [hbm4b:s3+s8], $0x20, s2, s8, $0xb8;
	[tilespmem:$0xA500] =	vst v63  }
0x51: {  	_ = 	snop  }
0x52: {  	[tilespmem:s10], [sflag:$0x1] =	stream.indirect.gather [hbm4b:s3+s8], $0x20, s8, s8, $0xb8;
	[tilespmem:$0xA500] =	vst v63  }
0x53: {  	_ = 	snop  }
0x54: {  	[tilespmem:s12], [sflag:$0x1] =	stream.indirect.gather [hbm4b:s3+s8], $0x20, s11, s8, $0xb8;
	[tilespmem:$0xA500] =	vst v63  }
0x55: {  	_ = 	snop  }
0x56: {  	[tilespmem:s14], [sflag:$0x1] =	stream.indirect.gather [hbm4b:s3+s8], $0x20, s13, s8, $0xb8;
	[tilespmem:$0xA500] =	vst v63  }
0x57: {  	_ = 	snop  }
0x58: {  	[tilespmem:s16], [sflag:$0x1] =	stream.indirect.gather [hbm4b:s3+s8], $0x20, s15, s8, $0xb8;
	[tilespmem:$0xA500] =	vst v63  }
0x59: {  	_ = 	snop  }
0x5a: {  	[tilespmem:s18], [sflag:$0x1] =	stream.indirect.gather [hbm4b:s3+s8], $0x20, s17, s8, $0xb8;
	[tilespmem:$0xA500] =	vst v63  }
0x5b: {  	_ = 	snop  }
0x5c: {  	[tilespmem:s20], [sflag:$0x1] =	stream.indirect.gather [hbm4b:s3+s8], $0x20, s19, s8, $0xb8;
	[tilespmem:$0xA500] =	vst v63  }
0x5d: {  	_ = 	snop  }
0x5e: {  	[tilespmem:s22], [sflag:$0x1] =	stream.indirect.gather [hbm4b:s3+s8], $0x20, s21, s8, $0xb8;
	[tilespmem:$0xA500] =	vst v63  }
0x5f: {  	_ = 	snop  }
0x60: {  	[tilespmem:s24], [sflag:$0x1] =	stream.indirect.gather [hbm4b:s3+s8], $0x20, s23, s8, $0xb8;
	[tilespmem:$0xA500] =	vst v63  }
0x61: {  	_ = 	snop  }
0x62: {  	[tilespmem:s26], [sflag:$0x1] =	stream.indirect.gather [hbm4b:s3+s8], $0x20, s25, s8, $0xb8;
	[tilespmem:$0xA500] =	vst v63  }
0x63: {  	_ =	swait.ge [sflag:s28], $0x1000  }
0x64: {  	[sflag:s28] =	ssyncset.done $0x0  }
0x65: {  	[sflag:s28] =	ssyncadd.s32 $0xFFFFF000  }
0x66: {  	_ =	swait.ge [sflag:s28], $0x1000  }
0x67: {  	[sflag:s28] =	ssyncset.done $0x0  }
0x68: {  	[sflag:s28] =	ssyncadd.s32 $0xFFFFF000  }
0x69: {  	_ =	swait.ge [sflag:s28], $0x1000  }
0x6a: {  	[sflag:s28] =	ssyncset.done $0x0  }
0x6b: {  	[sflag:s28] =	ssyncadd.s32 $0xFFFFF000  }
0x6c: {  	_ =	swait.ge [sflag:s28], $0x1000  }
0x6d: {  	[sflag:s28] =	ssyncset.done $0x0  }
0x6e: {  	[sflag:s28] =	ssyncadd.s32 $0xFFFFF000  }
0x6f: {  	_ =	swait.ge [sflag:s28], $0x1000  }
0x70: {  	[sflag:s28] =	ssyncset.done $0x0  }
0x71: {  	[sflag:s28] =	ssyncadd.s32 $0xFFFFF000  }
0x72: {  	_ =	swait.ge [sflag:s28], $0x1000  }
0x73: {  	[sflag:s28] =	ssyncset.done $0x0  }
0x74: {  	[sflag:s28] =	ssyncadd.s32 $0xFFFFF000  }
0x75: {  	_ =	swait.ge [sflag:s28], $0x1000  }
0x76: {  	[sflag:s28] =	ssyncset.done $0x0  }
0x77: {  	[sflag:s28] =	ssyncadd.s32 $0xFFFFF000  }
0x78: {  	_ =	swait.ge [sflag:s28], $0x1000  }
0x79: {  	[sflag:s28] =	ssyncset.done $0x0  }
0x7a: {  	[sflag:s28] =	ssyncadd.s32 $0xFFFFF000  }
0x7b: {  	_ =	swait.ge [sflag:s28], $0x1000  }
0x7c: {  	[sflag:s28] =	ssyncset.done $0x0  }
0x7d: {  	[sflag:s28] =	ssyncadd.s32 $0xFFFFF000  }
0x7e: {  	_ =	swait.ge [sflag:s28], $0x1000  }
.Ltmp0:
0x7f: {  	[sflag:s28] =	ssyncset.done $0x0;
	(pc) =	sbr.rel @p0 .LBB2_2-.Ltmp0, $4  }
0x80: {  	[sflag:s28] =	ssyncadd.s32 $0xFFFFF000  }
0x81: {  	[hbm4b:s30+s2] =	stream.linear.scatter [tilespmem:s9], [sflag:$0x2], $0xA000, $0x38;
	[tilespmem:$0xA500] =	vst v63  }
0x82: {  	_ =	swait.ge [sflag:s7], $0xA000  }
0x83: {  	s0 =	smov.u32 s1;
	s30 =	sadd.s32 $0x1400, s30;
	[sflag:s7] =	ssyncset.done $0x0  }
0x84: {  	s0 =	sadd.s32 s31, s6;
	[sflag:s7] =	ssyncadd.s32 $0xFFFF6000  }
0x85: {  	[tilespmem:s2], [sflag:$0x2] =	stream.linear.gather [hbm4b:s0+s2], $0x500, $0x38;
	[tilespmem:$0xA500] =	vst v63  }
0x86: {  	_ =	swait.ge [sflag:s7], $0x500  }
0x87: {  	[sflag:s7] =	ssyncset.done $0x0  }
0x88: {  	[sflag:s7] =	ssyncadd.s32 $0xFFFFFB00  }
0x89: {  	[tilespmem:s9], [sflag:$0x1] =	stream.indirect.gather [hbm4b:s3+s8], $0x20, s2, s8, $0xb8;
	[tilespmem:$0xA500] =	vst v63  }
0x8a: {  	_ = 	snop  }
0x8b: {  	[tilespmem:s10], [sflag:$0x1] =	stream.indirect.gather [hbm4b:s3+s8], $0x20, s8, s8, $0xb8;
	[tilespmem:$0xA500] =	vst v63  }
0x8c: {  	_ = 	snop  }
0x8d: {  	[tilespmem:s12], [sflag:$0x1] =	stream.indirect.gather [hbm4b:s3+s8], $0x20, s11, s8, $0xb8;
	[tilespmem:$0xA500] =	vst v63  }
0x8e: {  	_ = 	snop  }
0x8f: {  	[tilespmem:s14], [sflag:$0x1] =	stream.indirect.gather [hbm4b:s3+s8], $0x20, s13, s8, $0xb8;
	[tilespmem:$0xA500] =	vst v63  }
0x90: {  	_ = 	snop  }
0x91: {  	[tilespmem:s16], [sflag:$0x1] =	stream.indirect.gather [hbm4b:s3+s8], $0x20, s15, s8, $0xb8;
	[tilespmem:$0xA500] =	vst v63  }
0x92: {  	_ = 	snop  }
0x93: {  	[tilespmem:s18], [sflag:$0x1] =	stream.indirect.gather [hbm4b:s3+s8], $0x20, s17, s8, $0xb8;
	[tilespmem:$0xA500] =	vst v63  }
0x94: {  	_ = 	snop  }
0x95: {  	[tilespmem:s20], [sflag:$0x1] =	stream.indirect.gather [hbm4b:s3+s8], $0x20, s19, s8, $0xb8;
	[tilespmem:$0xA500] =	vst v63  }
0x96: {  	_ = 	snop  }
0x97: {  	[tilespmem:s22], [sflag:$0x1] =	stream.indirect.gather [hbm4b:s3+s8], $0x20, s21, s8, $0xb8;
	[tilespmem:$0xA500] =	vst v63  }
0x98: {  	_ = 	snop  }
0x99: {  	[tilespmem:s24], [sflag:$0x1] =	stream.indirect.gather [hbm4b:s3+s8], $0x20, s23, s8, $0xb8;
	[tilespmem:$0xA500] =	vst v63  }
0x9a: {  	_ = 	snop  }
0x9b: {  	[tilespmem:s26], [sflag:$0x1] =	stream.indirect.gather [hbm4b:s3+s8], $0x20, s25, s8, $0xb8;
	[tilespmem:$0xA500] =	vst v63  }
0x9c: {  	_ =	swait.ge [sflag:s28], $0x1000  }
0x9d: {  	[sflag:s28] =	ssyncset.done $0x0  }
0x9e: {  	[sflag:s28] =	ssyncadd.s32 $0xFFFFF000  }
0x9f: {  	_ =	swait.ge [sflag:s28], $0x1000  }
0xa0: {  	[sflag:s28] =	ssyncset.done $0x0  }
0xa1: {  	[sflag:s28] =	ssyncadd.s32 $0xFFFFF000  }
0xa2: {  	_ =	swait.ge [sflag:s28], $0x1000  }
0xa3: {  	[sflag:s28] =	ssyncset.done $0x0  }
0xa4: {  	[sflag:s28] =	ssyncadd.s32 $0xFFFFF000  }
0xa5: {  	_ =	swait.ge [sflag:s28], $0x1000  }
0xa6: {  	[sflag:s28] =	ssyncset.done $0x0  }
0xa7: {  	[sflag:s28] =	ssyncadd.s32 $0xFFFFF000  }
0xa8: {  	_ =	swait.ge [sflag:s28], $0x1000  }
0xa9: {  	[sflag:s28] =	ssyncset.done $0x0  }
0xaa: {  	[sflag:s28] =	ssyncadd.s32 $0xFFFFF000  }
0xab: {  	_ =	swait.ge [sflag:s28], $0x1000  }
0xac: {  	[sflag:s28] =	ssyncset.done $0x0  }
0xad: {  	[sflag:s28] =	ssyncadd.s32 $0xFFFFF000  }
0xae: {  	_ =	swait.ge [sflag:s28], $0x1000  }
0xaf: {  	[sflag:s28] =	ssyncset.done $0x0  }
0xb0: {  	[sflag:s28] =	ssyncadd.s32 $0xFFFFF000  }
0xb1: {  	_ =	swait.ge [sflag:s28], $0x1000  }
0xb2: {  	[sflag:s28] =	ssyncset.done $0x0  }
0xb3: {  	[sflag:s28] =	ssyncadd.s32 $0xFFFFF000  }
0xb4: {  	_ =	swait.ge [sflag:s28], $0x1000  }
0xb5: {  	[sflag:s28] =	ssyncset.done $0x0  }
0xb6: {  	[sflag:s28] =	ssyncadd.s32 $0xFFFFF000  }
0xb7: {  	_ =	swait.ge [sflag:s28], $0x1000  }
0xb8: {  	[sflag:s28] =	ssyncset.done $0x0  }
0xb9: {  	[sflag:s28] =	ssyncadd.s32 $0xFFFFF000  }
0xba: {  	[hbm4b:s30+s2] =	stream.linear.scatter [tilespmem:s9], [sflag:$0x2], $0xA000, $0x38;
	[tilespmem:$0xA500] =	vst v63  }
0xbb: {  	_ =	swait.ge [sflag:s7], $0xA000  }
0xbc: {  	s29 =	sadd.s32 $0x1, s29;
	s31 =	rddreg [dreg:$0x2]  }
0xbd: {  	p0 =	sne.s32 s29, s31  }
.Ltmp1:
0xbe: {  	_ = 	snop;
	(pc) =	sbr.rel @p0 .LBB2_1-.Ltmp1, $3  }
0xbf: {  	_ =	sdelay $0x1  }
0xc0: {  	[sflag:s7] =	ssyncset.done $0x0  }
0xc1: {  	[sflag:s7] =	ssyncadd.s32 $0xFFFF6000  }
0xc2: {  	_ =	sfence.sel $0x180000  }
0xc3: {  	[bflag:$0x0] =	sbarrier.arrive $0xFFFF  }
0xc4: {  	_ =	strace $0x9000004A  }
0xc5: {  	s0 =	stileid.u32;
	[bflag:$0x2] =	sbarrier.arrive $0xFFFF  }
0xc6: {  	p0 =	sne.s32 s0, $0x0;
	s0 =	rddreg [dreg:$0x1]  }
0xc7: {  	s0 =	sadd.s32 @!p0 $0x100000, s0  }
0xc8: {  	[sflag:s0] =	ssyncadd.tile.s32 @!p0 $0x1;
	_ =	shalt  }
.Lfunc_end2:
_tile_overlayer_lowered:
.L_overlay_start_2:
0xc9: {  	(tag) =	ssettag $0x2  }
0xca: {  	s0 =	rddreg [dreg:$0x0];
	s2 =	stileid.u32  }
0xcb: {  	s1 =	rddreg [dreg:$0x1];
	p0 =	sne.s32 s2, $0x0  }
0xcc: {  	s3 =	rddreg [dreg:$0x2];
	[bflag:$0x3] =	sbarrier.arrive $0xFFFF;
	s2 =	simm.s32 @!p0 $0x1C02  }
0xcd: {  	[timem:s3], [sflag:s2] =	dma.local @!p0 [hbm:s0], s1  }
0xce: {  	s0 =	simm.s32 @!p0 $0x2  }
0xcf: {  	_ =	swait.ge @!p0 [sflag:s0], s1  }
0xd0: {  	s1 =	ssub.s32 @!p0 $0x0, s1;
	[sflag:s0] =	ssyncset.done @!p0 $0x0  }
0xd1: {  	[sflag:s0] =	ssyncadd.s32 @!p0 s1  }
0xd2: {  	[bflag:$0x3] =	sbarrier.arrive $0xFFFF  }
0xd3: {  	_ =	shalt  }

// kernel: kernel.8.cloned.1.call-start
scs
__scs_entry_jumppad:
0x0: {  	(pc) =	sbr.rel $0x88, $3  }
0x1: {  	(tag) =	ssettag $0x0;
	lr =	simm.s32 $0x1  }
0x2: {  	[smem:$0x3F9D] =	sst lr;
	_ =	strace $0xD0000000  }
0x3: {  	_ = 	snop  }
0x4: {  	_ = 	snop  }
0x5: {  	_ = 	snop  }
0x6: {  	_ = 	snop  }
0x7: {  	_ = 	snop  }
__scs_overlays_trampoline_lowered:
0x8: {  	[smem:$0x3FAC] =	sst s0  }
0x9: {  	[smem:$0x3FAD] =	sst s1  }
0xa: {  	[smem:$0x3FAE] =	sst s2  }
0xb: {  	[smem:$0x3FAF] =	sst s3  }
0xc: {  	[smem:$0x3FB0] =	sst s4  }
0xd: {  	[smem:$0x3FB1] =	sst s5  }
0xe: {  	[smem:$0x3FB2] =	sst s6  }
0xf: {  	[smem:$0x3FB3] =	sst s7  }
0x10: {  	[smem:$0x3FB4] =	sst s8  }
0x11: {  	[smem:$0x3FB5] =	sst s9;
	s0 =	simm.s32 @!p0 $0x0  }
0x12: {  	s1 =	sld [smem:$0x3F9B];
	s0 =	simm.s32 @p0 $0x1  }
0x13: {  	[smem:$0x3FB6] =	sst s0;
	s0 =	simm.s32 @!p1 $0x0  }
0x14: {  	s2 =	sld [smem:$0x3F9A];
	s0 =	simm.s32 @p1 $0x1  }
0x15: {  	[smem:$0x3FB7] =	sst s0;
	s0 =	simm.s32 @!p2 $0x0  }
0x16: {  	s3 =	sld [smem:$0x3FDB];
	s0 =	simm.s32 @p2 $0x1  }
0x17: {  	s4 =	simm.s32 $0x1BF5;
	[smem:$0x3FB9] =	sst s0  }
0x18: {  	s0 =	sld [smem:$0x3F9C];
	_ =	swait.ge [sflag:s4], $0x0  }
0x19: {  	s7 =	sld [smem:$0x3F9D]  }
0x1a: {  	s8 =	sadd.s32 $0xFFFFE003, lr  }
0x1b: {  	s9 =	sadd.s32 $0xFFFFFEF7, lr;
	s5 =	simm.s32 $0xFFFFFFFF;
	p2 =	slt.u32 s8, $0xFFFFF086  }
0x1c: {  	p1 =	slt.u32 s9, $0xF7A;
	s5 =	simm.s32 @!p2 $0x0  }
0x1d: {  	s5 =	simm.s32 @p1 $0x1;
	p0 =	seq.s32 s7, s2  }
0x1e: {  	s7 =	smul.u32 @!p0 $0xF7A, s2;
	p2 =	seq.s32 @!p0 s5, $0x0  }
0x1f: {  	s9 =	smul.u32 $0xF7A, s1;
	s8 =	simm.s32 @!p0 $0x1BF5;
	p2 =	por !p2, p0  }
0x20: {  	[sflag:s8] =	ssyncset.s32 @!p0 $0xFFFFF086;
	s6 =	sadd.s32 @!p0 s3, s7;
	s7 =	simm.s32 @!p0 $0x108  }
0x21: {  	s3 =	sadd.s32 s3, s9;
	s6 =	sadd.s32 @!p0 $0x88, s6;
	s7 =	simm.s32 @p2 $0x1082  }
0x22: {  	[simem:s7], [sflag:s8] =	dma.local @!p0 [hbm:s6], $0xF7A  }
0x23: {  	s9 =	sor.u32 $0xD0000000, s2;
	s6 =	simm.s32 $0x108;
	_ =	swait.ge @!p0 [sflag:s8], $0x0  }
0x24: {  	s3 =	sadd.s32 $0x88, s3;
	s6 =	simm.s32 @!p1 $0x1082;
	[sflag:s4] =	ssyncset.s32 $0xFFFFF086  }
0x25: {  	[simem:s6], [sflag:s4] =	dma.local [hbm:s3], $0xF7A  }
0x26: {  	[smem:$0x3F9D] =	sst s1;
	(tag) =	ssettag s2;
	_ =	strace s9  }
0x27: {  	s1 =	sld [smem:$0x3FAD]  }
0x28: {  	s2 =	sld [smem:$0x3FAE]  }
0x29: {  	s4 =	sld [smem:$0x3FB0]  }
0x2a: {  	p0 =	seq.s32 s5, $0x0;
	s5 =	sld [smem:$0x3FB1]  }
0x2b: {  	s6 =	sld [smem:$0x3FB2]  }
0x2c: {  	s7 =	sld [smem:$0x3FB3]  }
0x2d: {  	s3 =	simm.s32 $0x108;
	s8 =	sld [smem:$0x3FB4]  }
0x2e: {  	s3 =	simm.s32 @!p0 $0x1082;
	s9 =	sld [smem:$0x3FB5]  }
0x2f: {  	lr =	sadd.s32 s0, s3;
	s0 =	sld [smem:$0x3FAC]  }
0x30: {  	s3 =	sld [smem:$0x3FAF]  }
0x31: {  	[smem:$0x3FB8] =	sst s10  }
0x32: {  	s10 =	sld [smem:$0x3FB6];
	_ =	sdelay $0x3  }
0x33: {  	p0 =	seq.s32 s10, $0x1;
	s10 =	sld [smem:$0x3FB8];
	_ =	sdelay $0x3  }
0x34: {  	[smem:$0x3FB8] =	sst s10  }
0x35: {  	s10 =	sld [smem:$0x3FB7];
	_ =	sdelay $0x3  }
0x36: {  	p1 =	seq.s32 s10, $0x1;
	s10 =	sld [smem:$0x3FB8];
	_ =	sdelay $0x3  }
0x37: {  	[smem:$0x3FB8] =	sst s10  }
0x38: {  	s10 =	sld [smem:$0x3FB9]  }
0x39: {  	_ = 	snop;
	(pc) =	sbr.ind lr, $3  }
0x3a: {  	_ = 	snop  }
0x3b: {  	_ = 	snop  }
0x3c: {  	p2 =	seq.s32 s10, $0x1;
	s10 =	sld [smem:$0x3FB8]  }
0x3d: {  	_ =	shalt  }
0x3e: {  	_ =	shalt  }
0x3f: {  	_ =	shalt  }
0x40: {  	_ =	shalt  }
0x41: {  	_ =	shalt  }
0x42: {  	_ =	shalt  }
0x43: {  	_ =	shalt  }
0x44: {  	_ =	shalt  }
0x45: {  	_ =	shalt  }
0x46: {  	_ =	shalt  }
0x47: {  	_ =	shalt  }
0x48: {  	_ =	shalt  }
0x49: {  	_ =	shalt  }
0x4a: {  	_ =	shalt  }
0x4b: {  	_ =	shalt  }
0x4c: {  	_ =	shalt  }
0x4d: {  	_ =	shalt  }
0x4e: {  	_ =	shalt  }
0x4f: {  	_ =	shalt  }
0x50: {  	_ =	shalt  }
0x51: {  	_ =	shalt  }
0x52: {  	_ =	shalt  }
0x53: {  	_ =	shalt  }
0x54: {  	_ =	shalt  }
0x55: {  	_ =	shalt  }
0x56: {  	_ =	shalt  }
0x57: {  	_ =	shalt  }
0x58: {  	_ =	shalt  }
0x59: {  	_ =	shalt  }
0x5a: {  	_ =	shalt  }
0x5b: {  	_ =	shalt  }
0x5c: {  	_ =	shalt  }
0x5d: {  	_ =	shalt  }
0x5e: {  	_ =	shalt  }
0x5f: {  	_ =	shalt  }
0x60: {  	_ =	shalt  }
0x61: {  	_ =	shalt  }
0x62: {  	_ =	shalt  }
0x63: {  	_ =	shalt  }
0x64: {  	_ =	shalt  }
0x65: {  	_ =	shalt  }
0x66: {  	_ =	shalt  }
0x67: {  	_ =	shalt  }
0x68: {  	_ =	shalt  }
0x69: {  	_ =	shalt  }
0x6a: {  	_ =	shalt  }
0x6b: {  	_ =	shalt  }
0x6c: {  	_ =	shalt  }
0x6d: {  	_ =	shalt  }
0x6e: {  	_ =	shalt  }
0x6f: {  	_ =	shalt  }
0x70: {  	_ =	shalt  }
0x71: {  	_ =	shalt  }
0x72: {  	_ =	shalt  }
0x73: {  	_ =	shalt  }
0x74: {  	_ =	shalt  }
0x75: {  	_ =	shalt  }
0x76: {  	_ =	shalt  }
0x77: {  	_ =	shalt  }
0x78: {  	_ =	shalt  }
0x79: {  	_ =	shalt  }
0x7a: {  	_ =	shalt  }
0x7b: {  	_ =	shalt  }
0x7c: {  	_ =	shalt  }
0x7d: {  	_ =	shalt  }
0x7e: {  	_ =	shalt  }
0x7f: {  	_ =	shalt  }
0x80: {  	_ =	shalt  }
0x81: {  	_ =	shalt  }
0x82: {  	_ =	shalt  }
0x83: {  	_ =	shalt  }
0x84: {  	_ =	shalt  }
0x85: {  	_ =	shalt  }
0x86: {  	_ =	shalt  }
0x87: {  	_ =	shalt  }
.Lfunc_end0:
.L_simem_size_0:
called_computation_lowered:
.L_overlay_start_0:
0x88: {  	s2 =	sld [smem:$0x3FD9]  }
0x89: {  	s3 =	sld [smem:$0x3FFE];
	_ =	sdelay $0x1  }
0x8a: {  	s1 =	srdreg.scid  }
0x8b: {  	s0 =	sand.u32 $0x1, s1  }
0x8c: {  	s16 =	sshll.u32 s0, $0xA;
	s2 =	sadd.s32 s3, s2  }
0x8d: {  	s2 =	sadd.s32 s2, s16  }
0x8e: {  	[smem:$0x3FC4] =	sst s2  }
0x8f: {  	_ = 	snop  }
0x90: {  	(tm) =	ssettm $0x1  }
0x91: {  	s17 =	sld [smem:$0x3FFB];
	_ =	sdelay $0x3  }
0x92: {  	_ =	strace s17  }
0x93: {  	s2 =	sld [smem:$0x3FFC];
	_ =	sdelay $0x3  }
0x94: {  	_ =	strace s2  }
0x95: {  	s2 =	sld [smem:$0x3FFD];
	_ =	sdelay $0x3  }
0x96: {  	_ =	strace s2  }
0x97: {  	_ =	strace $0x8FFFFFFF  }
0x98: {  	s18 =	sld [smem:$0x3FDB];
	_ =	sdelay $0x1  }
0x99: {  	s19 =	simm.s32 $_scs_section_size  }
0x9a: {  	s4 =	simm.s32 $_size__tile_overlayer_lowered;
	s5 =	simm.s32 $_tile_overlayer_lowered  }
0x9b: {  	s22 =	simm.s32 $0x1BFF;
	s21 =	sshll.u32 s5, $0x1;
	s2 =	sadd.s32 s19, s18  }
0x9c: {  	s6 =	simm.s32 $0x0;
	s20 =	sshll.u32 s4, $0x1;
	s4 =	sadd.s32 s21, s2  }
0x9d: {  	[timem:s6], [sflag:s22] =	dma.local [hbm:s4], s20  }
0x9e: {  	_ =	swait.ge [sflag:s22], s20  }
0x9f: {  	s3 =	ssub.s32 $0x0, s20;
	[sflag:s22] =	ssyncset.done $0x0  }
0xa0: {  	[sflag:s22] =	ssyncadd.s32 s3;
	_ =	sdelay $0x1  }
0xa1: {  	s23 =	simm.s32 $0x1B8B  }
0xa2: {  	_ =	swait.ge [sflag:s23], $0x1  }
0xa3: {  	[sflag:s23] =	ssyncset.done $0x0  }
0xa4: {  	s25 =	simm.s32 $0x1B8E;
	s24 =	sld [smem:$0x3FFE];
	[sflag:s23] =	ssyncadd.s32 $0xFFFFFFFF  }
0xa5: {  	s26 =	simm.s32 $execute0_lowered;
	[smem:$0x3FD2] =	sst s25  }
0xa6: {  	s4 =	sshll.u32 s26, $0x1;
	_ =	strace $0x80000046;
	[dreg:$0x1] =	wrdreg $0xFFFFFFFF  }
0xa7: {  	s28 =	simm.s32 $_size_execute0_lowered;
	s2 =	sadd.s32 s2, s4;
	[dreg:$0x0] =	wrdreg $0x0  }
0xa8: {  	s4 =	sshll.u32 s28, $0x1;
	[dreg:$0x2] =	wrdreg s2  }
0xa9: {  	[dreg:$0x3] =	wrdreg s4  }
0xaa: {  	[dreg:$0x4] =	wrdreg $0xC0  }
0xab: {  	_ =	task [dreg:s6], $0x5FFFF  }
0xac: {  	[dreg:$0x1] =	wrdreg $0xFFFFFFFF  }
0xad: {  	[dreg:$0x0] =	wrdreg $0x60  }
0xae: {  	[dreg:$0x2] =	wrdreg s24  }
0xaf: {  	[dreg:$0x3] =	wrdreg $0x9  }
0xb0: {  	_ =	task.clear_ibuf [dreg:s6], $0x4FFFF;
	_ =	strace $0x90000046  }
0xb1: {  	s29 =	simm.s32 $0x9;
	_ =	strace $0x80000048  }
0xb2: {  	_ =	swait.ge [sflag:s29], $0x1  }
0xb3: {  	[sflag:s29] =	ssyncadd.s32 $0xFFFFFFFF  }
0xb4: {  	_ =	strace $0x90000048  }
0xb5: {  	_ =	sfence  }
0xb6: {  	s30 =	sld [smem:$0x0];
	_ =	sdelay $0x2  }
0xb7: {  	s31 =	sshll.u32 s1, $0xD;
	s1 =	sshrl.u32 s1, $0x2  }
0xb8: {  	s3 =	sand.u32 $0x4000, s31;
	s1 =	sadd.s32 s1, s30  }
0xb9: {  	s0 =	sor.u32 s3, s0;
	s1 =	sshll.u32 s1, $0x11  }
0xba: {  	s0 =	sor.u32 s1, s0  }
0xbb: {  	s0 =	sadd.s32 $0x8F2B, s0  }
0xbc: {  	[sflag:s0] =	ssyncadd.remote.s32 $0x1  }
0xbd: {  	_ =	sfence.sel $0xFFFF  }
0xbe: {  	[dreg:$0x0] =	wrdreg $0xFFFFFFFF;
	(pc) =	sbr.abs _section_cstart, $3  }
0xbf: {  	[dreg:$0x1] =	wrdreg $0xFFFFFFFF  }
0xc0: {  	_ =	task.clear_ibuf [dreg:s6], $0x2FFFF;
	_ =	strace $0x9FFFFFFF  }
0xc1: {  	(tm) =	ssettm $0x7FFFFFFF  }
tec
execute0_lowered:
.L_overlay_start_1:
0x0: {  	(tag) =	ssettag $0x1  }
0x1: {  	s0 =	rddreg [dreg:$0x0]  }
0x2: {  	s1 =	srdreg.scid;
	s5 =	stileid.u32;
	s2 =	simm.s32 $0x0  }
0x3: {  	s9 =	simm.s32 $0x500;
	s10 =	simm.s32 $0x1500;
	s11 =	simm.s32 $0x100  }
0x4: {  	s12 =	simm.s32 $0x2500;
	s13 =	simm.s32 $0x180;
	s14 =	simm.s32 $0x3500  }
0x5: {  	s15 =	simm.s32 $0x200;
	s16 =	simm.s32 $0x4500;
	s17 =	simm.s32 $0x280  }
0x6: {  	s18 =	simm.s32 $0x5500;
	s19 =	simm.s32 $0x300;
	s20 =	simm.s32 $0x6500  }
0x7: {  	s21 =	simm.s32 $0x380;
	s22 =	simm.s32 $0x7500;
	s23 =	simm.s32 $0x400  }
0x8: {  	s28 =	simm.s32 $0x1;
	s29 =	simm.s32 $0x0;
	s3 =	smul.u32 $0x6400, s5  }
0x9: {  	s1 =	sand.u32 $0x1, s1;
	[smem:$0x7FF] =	sst s2;
	s24 =	smul.u32 $0x19000, s5  }
0xa: {  	s4 =	smul.u32 $0x3200, s1;
	_ =	strace $0x80000047;
	s25 =	ssub.s32 $0x2, s1  }
0xb: {  	s1 =	smul.u32 $0xC800, s1;
	s6 =	sshrl.u32 s25, $0x1;
	s8 =	sadd.s32 s24, s0  }
0xc: {  	s24 =	simm.s32 $0x8500;
	s3 =	sadd.s32 s4, s3;
	s26 =	ssub.s32 s25, s6  }
0xd: {  	s31 =	sadd.s32 s1, s8;
	s8 =	simm.s32 $0x80;
	s25 =	simm.s32 $0x480  }
0xe: {  	s3 =	sshrl.u32 s3, $0x3;
	s30 =	smax.u32 s26, $0x1;
	s5 =	sadd.s32 $0x3DE400, s31  }
0xf: {  	s26 =	simm.s32 $0x9500;
	s7 =	sadd.s32 s3, s0;
	s3 =	sadd.s32 $0xDA00, s0  }
0x10: {  	[dreg:$0x2] =	wrdreg s30;
	s6 =	sadd.s32 $0x1200, s7;
	s7 =	simm.s32 $0x2  }
.LBB2_1:
0x11: {  	s0 =	sadd.s32 $0x0, s6  }
0x12: {  	[tilespmem:s2], [sflag:$0x2] =	stream.linear.gather [hbm4b:s0+s2], $0x500, $0x38;
	[tilespmem:$0xA500] =	vst v63  }
0x13: {  	_ =	swait.ge [sflag:s7], $0x500  }
0x14: {  	[sflag:s7] =	ssyncset.done $0x0  }
0x15: {  	[sflag:s7] =	ssyncadd.s32 $0xFFFFFB00  }
0x16: {  	[tilespmem:s9], [sflag:$0x1] =	stream.indirect.gather [hbm4b:s3+s8], $0x20, s2, s8, $0xb8;
	[tilespmem:$0xA500] =	vst v63  }
0x17: {  	_ = 	snop  }
0x18: {  	[tilespmem:s10], [sflag:$0x1] =	stream.indirect.gather [hbm4b:s3+s8], $0x20, s8, s8, $0xb8;
	[tilespmem:$0xA500] =	vst v63  }
0x19: {  	_ = 	snop  }
0x1a: {  	[tilespmem:s12], [sflag:$0x1] =	stream.indirect.gather [hbm4b:s3+s8], $0x20, s11, s8, $0xb8;
	[tilespmem:$0xA500] =	vst v63  }
0x1b: {  	_ = 	snop  }
0x1c: {  	[tilespmem:s14], [sflag:$0x1] =	stream.indirect.gather [hbm4b:s3+s8], $0x20, s13, s8, $0xb8;
	[tilespmem:$0xA500] =	vst v63  }
0x1d: {  	_ = 	snop  }
0x1e: {  	[tilespmem:s16], [sflag:$0x1] =	stream.indirect.gather [hbm4b:s3+s8], $0x20, s15, s8, $0xb8;
	[tilespmem:$0xA500] =	vst v63  }
0x1f: {  	_ = 	snop  }
0x20: {  	[tilespmem:s18], [sflag:$0x1] =	stream.indirect.gather [hbm4b:s3+s8], $0x20, s17, s8, $0xb8;
	[tilespmem:$0xA500] =	vst v63  }
0x21: {  	_ = 	snop  }
0x22: {  	[tilespmem:s20], [sflag:$0x1] =	stream.indirect.gather [hbm4b:s3+s8], $0x20, s19, s8, $0xb8;
	[tilespmem:$0xA500] =	vst v63  }
0x23: {  	_ = 	snop  }
0x24: {  	[tilespmem:s22], [sflag:$0x1] =	stream.indirect.gather [hbm4b:s3+s8], $0x20, s21, s8, $0xb8;
	[tilespmem:$0xA500] =	vst v63  }
0x25: {  	_ = 	snop  }
0x26: {  	[tilespmem:s24], [sflag:$0x1] =	stream.indirect.gather [hbm4b:s3+s8], $0x20, s23, s8, $0xb8;
	[tilespmem:$0xA500] =	vst v63  }
0x27: {  	_ = 	snop  }
0x28: {  	[tilespmem:s26], [sflag:$0x1] =	stream.indirect.gather [hbm4b:s3+s8], $0x20, s25, s8, $0xb8;
	[tilespmem:$0xA500] =	vst v63  }
0x29: {  	_ =	swait.ge [sflag:s28], $0x1000  }
0x2a: {  	[sflag:s28] =	ssyncset.done $0x0  }
0x2b: {  	[sflag:s28] =	ssyncadd.s32 $0xFFFFF000  }
0x2c: {  	_ =	swait.ge [sflag:s28], $0x1000  }
0x2d: {  	[sflag:s28] =	ssyncset.done $0x0  }
0x2e: {  	[sflag:s28] =	ssyncadd.s32 $0xFFFFF000  }
0x2f: {  	_ =	swait.ge [sflag:s28], $0x1000  }
0x30: {  	[sflag:s28] =	ssyncset.done $0x0  }
0x31: {  	[sflag:s28] =	ssyncadd.s32 $0xFFFFF000  }
0x32: {  	_ =	swait.ge [sflag:s28], $0x1000  }
0x33: {  	[sflag:s28] =	ssyncset.done $0x0  }
0x34: {  	[sflag:s28] =	ssyncadd.s32 $0xFFFFF000  }
0x35: {  	_ =	swait.ge [sflag:s28], $0x1000  }
0x36: {  	[sflag:s28] =	ssyncset.done $0x0  }
0x37: {  	[sflag:s28] =	ssyncadd.s32 $0xFFFFF000  }
0x38: {  	_ =	swait.ge [sflag:s28], $0x1000  }
0x39: {  	[sflag:s28] =	ssyncset.done $0x0  }
0x3a: {  	[sflag:s28] =	ssyncadd.s32 $0xFFFFF000  }
0x3b: {  	_ =	swait.ge [sflag:s28], $0x1000  }
0x3c: {  	[sflag:s28] =	ssyncset.done $0x0  }
0x3d: {  	[sflag:s28] =	ssyncadd.s32 $0xFFFFF000  }
0x3e: {  	_ =	swait.ge [sflag:s28], $0x1000  }
0x3f: {  	[sflag:s28] =	ssyncset.done $0x0  }
0x40: {  	[sflag:s28] =	ssyncadd.s32 $0xFFFFF000  }
0x41: {  	_ =	swait.ge [sflag:s28], $0x1000  }
0x42: {  	[sflag:s28] =	ssyncset.done $0x0  }
0x43: {  	[sflag:s28] =	ssyncadd.s32 $0xFFFFF000  }
0x44: {  	_ =	swait.ge [sflag:s28], $0x1000  }
0x45: {  	[sflag:s28] =	ssyncset.done $0x0  }
0x46: {  	[sflag:s28] =	ssyncadd.s32 $0xFFFFF000  }
0x47: {  	[hbm4b:s5+s2] =	stream.linear.scatter [tilespmem:s9], [sflag:$0x2], $0xA000, $0x38;
	[tilespmem:$0xA500] =	vst v63  }
0x48: {  	s31 =	simm.s32 $0xA0;
	_ =	swait.ge [sflag:s7], $0xA000  }
0x49: {  	s30 =	sadd.s32 $0x1400, s5;
	s0 =	simm.s32 $0x140;
	[sflag:s7] =	ssyncset.done $0x0  }
.LBB2_2:
0x4a: {  	s4 =	sadd.s32 s31, s6  }
0x4b: {  	[sflag:s7] =	ssyncadd.s32 $0xFFFF6000;
	s31 =	smov.u32 s0;
	s1 =	sadd.s32 $0xA0, s0  }
0x4c: {  	[tilespmem:s2], [sflag:$0x2] =	stream.linear.gather [hbm4b:s4+s2], $0x500, $0x38;
	[tilespmem:$0xA500] =	vst v63  }
0x4d: {  	p0 =	sne.s32 s0, $0x5A0;
	_ =	swait.ge [sflag:s7], $0x500  }
0x4e: {  	[sflag:s7] =	ssyncset.done $0x0  }
0x4f: {  	[sflag:s7] =	ssyncadd.s32 $0xFFFFFB00  }
0x50: {  	[tilespmem:s9], [sflag:$0x1] =	stream.indirect.gather [hbm4b:s3+s8], $0x20, s2, s8, $0xb8;
	[tilespmem:$0xA500] =	vst v63  }
0x51: {  	_ = 	snop  }
0x52: {  	[tilespmem:s10], [sflag:$0x1] =	stream.indirect.gather [hbm4b:s3+s8], $0x20, s8, s8, $0xb8;
	[tilespmem:$0xA500] =	vst v63  }
0x53: {  	_ = 	snop  }
0x54: {  	[tilespmem:s12], [sflag:$0x1] =	stream.indirect.gather [hbm4b:s3+s8], $0x20, s11, s8, $0xb8;
	[tilespmem:$0xA500] =	vst v63  }
0x55: {  	_ = 	snop  }
0x56: {  	[tilespmem:s14], [sflag:$0x1] =	stream.indirect.gather [hbm4b:s3+s8], $0x20, s13, s8, $0xb8;
	[tilespmem:$0xA500] =	vst v63  }
0x57: {  	_ = 	snop  }
0x58: {  	[tilespmem:s16], [sflag:$0x1] =	stream.indirect.gather [hbm4b:s3+s8], $0x20, s15, s8, $0xb8;
	[tilespmem:$0xA500] =	vst v63  }
0x59: {  	_ = 	snop  }
0x5a: {  	[tilespmem:s18], [sflag:$0x1] =	stream.indirect.gather [hbm4b:s3+s8], $0x20, s17, s8, $0xb8;
	[tilespmem:$0xA500] =	vst v63  }
0x5b: {  	_ = 	snop  }
0x5c: {  	[tilespmem:s20], [sflag:$0x1] =	stream.indirect.gather [hbm4b:s3+s8], $0x20, s19, s8, $0xb8;
	[tilespmem:$0xA500] =	vst v63  }
0x5d: {  	_ = 	snop  }
0x5e: {  	[tilespmem:s22], [sflag:$0x1] =	stream.indirect.gather [hbm4b:s3+s8], $0x20, s21, s8, $0xb8;
	[tilespmem:$0xA500] =	vst v63  }
0x5f: {  	_ = 	snop  }
0x60: {  	[tilespmem:s24], [sflag:$0x1] =	stream.indirect.gather [hbm4b:s3+s8], $0x20, s23, s8, $0xb8;
	[tilespmem:$0xA500] =	vst v63  }
0x61: {  	_ = 	snop  }
0x62: {  	[tilespmem:s26], [sflag:$0x1] =	stream.indirect.gather [hbm4b:s3+s8], $0x20, s25, s8, $0xb8;
	[tilespmem:$0xA500] =	vst v63  }
0x63: {  	_ =	swait.ge [sflag:s28], $0x1000  }
0x64: {  	[sflag:s28] =	ssyncset.done $0x0  }
0x65: {  	[sflag:s28] =	ssyncadd.s32 $0xFFFFF000  }
0x66: {  	_ =	swait.ge [sflag:s28], $0x1000  }
0x67: {  	[sflag:s28] =	ssyncset.done $0x0  }
0x68: {  	[sflag:s28] =	ssyncadd.s32 $0xFFFFF000  }
0x69: {  	_ =	swait.ge [sflag:s28], $0x1000  }
0x6a: {  	[sflag:s28] =	ssyncset.done $0x0  }
0x6b: {  	[sflag:s28] =	ssyncadd.s32 $0xFFFFF000  }
0x6c: {  	_ =	swait.ge [sflag:s28], $0x1000  }
0x6d: {  	[sflag:s28] =	ssyncset.done $0x0  }
0x6e: {  	[sflag:s28] =	ssyncadd.s32 $0xFFFFF000  }
0x6f: {  	_ =	swait.ge [sflag:s28], $0x1000  }
0x70: {  	[sflag:s28] =	ssyncset.done $0x0  }
0x71: {  	[sflag:s28] =	ssyncadd.s32 $0xFFFFF000  }
0x72: {  	_ =	swait.ge [sflag:s28], $0x1000  }
0x73: {  	[sflag:s28] =	ssyncset.done $0x0  }
0x74: {  	[sflag:s28] =	ssyncadd.s32 $0xFFFFF000  }
0x75: {  	_ =	swait.ge [sflag:s28], $0x1000  }
0x76: {  	[sflag:s28] =	ssyncset.done $0x0  }
0x77: {  	[sflag:s28] =	ssyncadd.s32 $0xFFFFF000  }
0x78: {  	_ =	swait.ge [sflag:s28], $0x1000  }
0x79: {  	[sflag:s28] =	ssyncset.done $0x0  }
0x7a: {  	[sflag:s28] =	ssyncadd.s32 $0xFFFFF000  }
0x7b: {  	_ =	swait.ge [sflag:s28], $0x1000  }
0x7c: {  	[sflag:s28] =	ssyncset.done $0x0  }
0x7d: {  	[sflag:s28] =	ssyncadd.s32 $0xFFFFF000  }
0x7e: {  	_ =	swait.ge [sflag:s28], $0x1000  }
.Ltmp0:
0x7f: {  	[sflag:s28] =	ssyncset.done $0x0;
	(pc) =	sbr.rel @p0 .LBB2_2-.Ltmp0, $4  }
0x80: {  	[sflag:s28] =	ssyncadd.s32 $0xFFFFF000  }
0x81: {  	[hbm4b:s30+s2] =	stream.linear.scatter [tilespmem:s9], [sflag:$0x2], $0xA000, $0x38;
	[tilespmem:$0xA500] =	vst v63  }
0x82: {  	_ =	swait.ge [sflag:s7], $0xA000  }
0x83: {  	s0 =	smov.u32 s1;
	s30 =	sadd.s32 $0x1400, s30;
	[sflag:s7] =	ssyncset.done $0x0  }
0x84: {  	s0 =	sadd.s32 s31, s6;
	[sflag:s7] =	ssyncadd.s32 $0xFFFF6000  }
0x85: {  	[tilespmem:s2], [sflag:$0x2] =	stream.linear.gather [hbm4b:s0+s2], $0x500, $0x38;
	[tilespmem:$0xA500] =	vst v63  }
0x86: {  	_ =	swait.ge [sflag:s7], $0x500  }
0x87: {  	[sflag:s7] =	ssyncset.done $0x0  }
0x88: {  	[sflag:s7] =	ssyncadd.s32 $0xFFFFFB00  }
0x89: {  	[tilespmem:s9], [sflag:$0x1] =	stream.indirect.gather [hbm4b:s3+s8], $0x20, s2, s8, $0xb8;
	[tilespmem:$0xA500] =	vst v63  }
0x8a: {  	_ = 	snop  }
0x8b: {  	[tilespmem:s10], [sflag:$0x1] =	stream.indirect.gather [hbm4b:s3+s8], $0x20, s8, s8, $0xb8;
	[tilespmem:$0xA500] =	vst v63  }
0x8c: {  	_ = 	snop  }
0x8d: {  	[tilespmem:s12], [sflag:$0x1] =	stream.indirect.gather [hbm4b:s3+s8], $0x20, s11, s8, $0xb8;
	[tilespmem:$0xA500] =	vst v63  }
0x8e: {  	_ = 	snop  }
0x8f: {  	[tilespmem:s14], [sflag:$0x1] =	stream.indirect.gather [hbm4b:s3+s8], $0x20, s13, s8, $0xb8;
	[tilespmem:$0xA500] =	vst v63  }
0x90: {  	_ = 	snop  }
0x91: {  	[tilespmem:s16], [sflag:$0x1] =	stream.indirect.gather [hbm4b:s3+s8], $0x20, s15, s8, $0xb8;
	[tilespmem:$0xA500] =	vst v63  }
0x92: {  	_ = 	snop  }
0x93: {  	[tilespmem:s18], [sflag:$0x1] =	stream.indirect.gather [hbm4b:s3+s8], $0x20, s17, s8, $0xb8;
	[tilespmem:$0xA500] =	vst v63  }
0x94: {  	_ = 	snop  }
0x95: {  	[tilespmem:s20], [sflag:$0x1] =	stream.indirect.gather [hbm4b:s3+s8], $0x20, s19, s8, $0xb8;
	[tilespmem:$0xA500] =	vst v63  }
0x96: {  	_ = 	snop  }
0x97: {  	[tilespmem:s22], [sflag:$0x1] =	stream.indirect.gather [hbm4b:s3+s8], $0x20, s21, s8, $0xb8;
	[tilespmem:$0xA500] =	vst v63  }
0x98: {  	_ = 	snop  }
0x99: {  	[tilespmem:s24], [sflag:$0x1] =	stream.indirect.gather [hbm4b:s3+s8], $0x20, s23, s8, $0xb8;
	[tilespmem:$0xA500] =	vst v63  }
0x9a: {  	_ = 	snop  }
0x9b: {  	[tilespmem:s26], [sflag:$0x1] =	stream.indirect.gather [hbm4b:s3+s8], $0x20, s25, s8, $0xb8;
	[tilespmem:$0xA500] =	vst v63  }
0x9c: {  	_ =	swait.ge [sflag:s28], $0x1000  }
0x9d: {  	[sflag:s28] =	ssyncset.done $0x0  }
0x9e: {  	[sflag:s28] =	ssyncadd.s32 $0xFFFFF000  }
0x9f: {  	_ =	swait.ge [sflag:s28], $0x1000  }
0xa0: {  	[sflag:s28] =	ssyncset.done $0x0  }
0xa1: {  	[sflag:s28] =	ssyncadd.s32 $0xFFFFF000  }
0xa2: {  	_ =	swait.ge [sflag:s28], $0x1000  }
0xa3: {  	[sflag:s28] =	ssyncset.done $0x0  }
0xa4: {  	[sflag:s28] =	ssyncadd.s32 $0xFFFFF000  }
0xa5: {  	_ =	swait.ge [sflag:s28], $0x1000  }
0xa6: {  	[sflag:s28] =	ssyncset.done $0x0  }
0xa7: {  	[sflag:s28] =	ssyncadd.s32 $0xFFFFF000  }
0xa8: {  	_ =	swait.ge [sflag:s28], $0x1000  }
0xa9: {  	[sflag:s28] =	ssyncset.done $0x0  }
0xaa: {  	[sflag:s28] =	ssyncadd.s32 $0xFFFFF000  }
0xab: {  	_ =	swait.ge [sflag:s28], $0x1000  }
0xac: {  	[sflag:s28] =	ssyncset.done $0x0  }
0xad: {  	[sflag:s28] =	ssyncadd.s32 $0xFFFFF000  }
0xae: {  	_ =	swait.ge [sflag:s28], $0x1000  }
0xaf: {  	[sflag:s28] =	ssyncset.done $0x0  }
0xb0: {  	[sflag:s28] =	ssyncadd.s32 $0xFFFFF000  }
0xb1: {  	_ =	swait.ge [sflag:s28], $0x1000  }
0xb2: {  	[sflag:s28] =	ssyncset.done $0x0  }
0xb3: {  	[sflag:s28] =	ssyncadd.s32 $0xFFFFF000  }
0xb4: {  	_ =	swait.ge [sflag:s28], $0x1000  }
0xb5: {  	[sflag:s28] =	ssyncset.done $0x0  }
0xb6: {  	[sflag:s28] =	ssyncadd.s32 $0xFFFFF000  }
0xb7: {  	_ =	swait.ge [sflag:s28], $0x1000  }
0xb8: {  	[sflag:s28] =	ssyncset.done $0x0  }
0xb9: {  	[sflag:s28] =	ssyncadd.s32 $0xFFFFF000  }
0xba: {  	[hbm4b:s30+s2] =	stream.linear.scatter [tilespmem:s9], [sflag:$0x2], $0xA000, $0x38;
	[tilespmem:$0xA500] =	vst v63  }
0xbb: {  	_ =	swait.ge [sflag:s7], $0xA000  }
0xbc: {  	s29 =	sadd.s32 $0x1, s29;
	s31 =	rddreg [dreg:$0x2]  }
0xbd: {  	p0 =	sne.s32 s29, s31  }
.Ltmp1:
0xbe: {  	_ = 	snop;
	(pc) =	sbr.rel @p0 .LBB2_1-.Ltmp1, $3  }
0xbf: {  	_ =	sdelay $0x1  }
0xc0: {  	[sflag:s7] =	ssyncset.done $0x0  }
0xc1: {  	[sflag:s7] =	ssyncadd.s32 $0xFFFF6000  }
0xc2: {  	_ =	sfence.sel $0x180000  }
0xc3: {  	[bflag:$0x0] =	sbarrier.arrive $0xFFFF  }
0xc4: {  	_ =	strace $0x90000047  }
0xc5: {  	s0 =	stileid.u32;
	[bflag:$0x2] =	sbarrier.arrive $0xFFFF  }
0xc6: {  	p0 =	sne.s32 s0, $0x0;
	s0 =	rddreg [dreg:$0x1]  }
0xc7: {  	s0 =	sadd.s32 @!p0 $0x100000, s0  }
0xc8: {  	[sflag:s0] =	ssyncadd.tile.s32 @!p0 $0x1;
	_ =	shalt  }
.Lfunc_end2:
_tile_overlayer_lowered:
.L_overlay_start_2:
0xc9: {  	(tag) =	ssettag $0x2  }
0xca: {  	s0 =	rddreg [dreg:$0x0];
	s2 =	stileid.u32  }
0xcb: {  	s1 =	rddreg [dreg:$0x1];
	p0 =	sne.s32 s2, $0x0  }
0xcc: {  	s3 =	rddreg [dreg:$0x2];
	[bflag:$0x3] =	sbarrier.arrive $0xFFFF;
	s2 =	simm.s32 @!p0 $0x1C02  }
0xcd: {  	[timem:s3], [sflag:s2] =	dma.local @!p0 [hbm:s0], s1  }
0xce: {  	s0 =	simm.s32 @!p0 $0x2  }
0xcf: {  	_ =	swait.ge @!p0 [sflag:s0], s1  }
0xd0: {  	s1 =	ssub.s32 @!p0 $0x0, s1;
	[sflag:s0] =	ssyncset.done @!p0 $0x0  }
0xd1: {  	[sflag:s0] =	ssyncadd.s32 @!p0 s1  }
0xd2: {  	[bflag:$0x3] =	sbarrier.arrive $0xFFFF  }
0xd3: {  	_ =	shalt  }

</sc_bundles>
